<compile_context>
chip_gen: v7x
topology: tpu7x:2x2x1
jax: 0.10.2.dev20260603
libtpu: 0.0.44.dev20260713+nightly
codegen_flags: <defaults>
</compile_context>

<pallas_src>
import functools

import jax
import jax.numpy as jnp
from jax import lax
from jax.experimental import pallas as pl
from jax.experimental.pallas import tpu as pltpu
from jax.experimental.pallas import tpu_sc as plsc

B, N, C, H = 8, 4096, 256, 4
HD = C // H
SCALE = HD ** -0.5
KEEP = 2458
ROWS = 3 * B
_BITS_HI = 0x3F800010


_PAIR_IDX = {(0, 1): 0, (0, 2): 1, (1, 0): 2, (1, 2): 3, (2, 0): 4, (2, 1): 5}


def _scores_body(x1_ref, x2_ref, x3_ref, wq_ref, bqt_ref, wk_ref, bkt_ref,
                 ws_ref, s_ref):
    xs = (x1_ref[0], x2_ref[0], x3_ref[0])
    gcols, gncols = [], []
    for x in xs:
        g = jnp.mean(x, axis=0, keepdims=True)
        gc = g.T
        nrm = jnp.sqrt(jnp.sum(gc * gc)) + 1e-8
        gcols.append(gc)
        gncols.append(gc / nrm)

    rowh = lax.broadcasted_iota(jnp.int32, (C, H), 0) // HD
    colh = lax.broadcasted_iota(jnp.int32, (C, H), 1)
    hmask = (rowh == colh).astype(jnp.float32)

    ws = ws_ref[...]

    for m in range(3):
        o1, o2 = [o for o in range(3) if o != m]
        x = xs[m]
        r = 1.0 / (jnp.sqrt(jnp.sum(x * x, axis=1, keepdims=True)) + 1e-8)
        cols = [gncols[m], gncols[o1], gncols[o2]]
        consts = []
        for o in (o1, o2):
            p = _PAIR_IDX[(m, o)]
            wq = wq_ref[p]
            bqc = bqt_ref[:, p:p + 1]
            qc = lax.dot_general(wq, gcols[o], (((1,), (0,)), ((), ())),
                                 precision=lax.Precision.HIGHEST) + bqc
            wk = wk_ref[p]
            a = wk * qc
            v = lax.dot_general(a, hmask, (((0,), (0,)), ((), ())),
                                precision=lax.Precision.HIGHEST) * SCALE
            bkq = bkt_ref[:, p:p + 1] * qc
            c0 = lax.dot_general(bkq, hmask, (((0,), (0,)), ((), ())),
                                 precision=lax.Precision.HIGHEST) * SCALE
            cols.append(v)
            consts.append(c0)
        mcols = jnp.concatenate(cols, axis=1)
        p_all = lax.dot_general(x, mcols, (((1,), (0,)), ((), ())),
                                precision=lax.Precision.HIGHEST)

        parts = [p_all[:, 0:1] * r]
        for i in range(2):
            cos_o = p_all[:, 1 + i:2 + i] * r
            lg = p_all[:, 3 + i * H:3 + (i + 1) * H] + consts[i]
            mx = jnp.max(lg, axis=0, keepdims=True)
            e = jnp.exp(lg - mx)
            z = jnp.sum(e, axis=0, keepdims=True)
            amean = jnp.mean(e / z, axis=1, keepdims=True)
            parts.append(cos_o * amean)

        fused = jnp.zeros((N, 1), jnp.float32)
        for j in range(3):
            sj = parts[j]
            mn = jnp.min(sj, axis=0, keepdims=True)
            mx = jnp.max(sj, axis=0, keepdims=True)
            fused = fused + ws[m:m + 1, j:j + 1] * ((sj - mn) / (mx - mn + 1e-8))
        s_ref[m, 0] = fused.T


_scores_call = pl.pallas_call(
    _scores_body,
    grid=(B,),
    in_specs=[
        pl.BlockSpec((1, N, C), lambda b: (b, 0, 0)),
        pl.BlockSpec((1, N, C), lambda b: (b, 0, 0)),
        pl.BlockSpec((1, N, C), lambda b: (b, 0, 0)),
        pl.BlockSpec((6, C, C), lambda b: (0, 0, 0)),
        pl.BlockSpec((C, 6), lambda b: (0, 0)),
        pl.BlockSpec((6, C, C), lambda b: (0, 0, 0)),
        pl.BlockSpec((C, 6), lambda b: (0, 0)),
        pl.BlockSpec((3, 3), lambda b: (0, 0)),
    ],
    out_specs=pl.BlockSpec((3, 1, 1, N), lambda b: (0, b, 0, 0)),
    out_shape=jax.ShapeDtypeStruct((3, B, 1, N), jnp.float32),
    compiler_params=pltpu.CompilerParams(vmem_limit_bytes=100 * 1024 * 1024),
)



def _topk_body(scores_hbm, out_hbm, score_vm, thr_vm):
    row = lax.axis_index("s") * 2 + lax.axis_index("c")

    @pl.when(row < ROWS)
    def _():
        pltpu.sync_copy(scores_hbm.at[row], score_vm)

        one = jnp.full((16,), 1, jnp.int32)
        zero = jnp.zeros((16,), jnp.int32)

        def outer(_, lohi):
            lo, hi = lohi
            mid = lax.shift_right_logical(lo + hi, 1)

            def inner(j, cnt):
                bits = plsc.bitcast(score_vm[pl.ds(j * 16, 16)], jnp.int32)
                return cnt + jnp.where(bits > mid, one, zero)

            cntv = lax.fori_loop(0, N // 16, inner, zero)
            tot = jnp.sum(cntv, axis=0)
            pred = jnp.full((16,), 1, jnp.int32) * tot >= KEEP
            return jnp.where(pred, mid, lo), jnp.where(pred, hi, mid)

        lo0 = jnp.zeros((16,), jnp.int32)
        hi0 = jnp.full((16,), _BITS_HI, jnp.int32)
        lo, _ = lax.fori_loop(0, 32, outer, (lo0, hi0))
        thr_vm[...] = plsc.bitcast(lo, jnp.float32)
        pltpu.sync_copy(thr_vm, out_hbm.at[row])


@functools.cache
def _topk_call():
    return pl.kernel(
        _topk_body,
        out_type=jax.ShapeDtypeStruct((ROWS, 16), jnp.float32),
        mesh=plsc.VectorSubcoreMesh(core_axis_name="c", subcore_axis_name="s"),
        scratch_types=[
            pltpu.VMEM((N,), jnp.float32),
            pltpu.VMEM((16,), jnp.float32),
        ],
        compiler_params=pltpu.CompilerParams(needs_layout_passes=False),
    )



_TN = 1024


def _mask_body(x1_ref, x2_ref, x3_ref, s_ref, thr_ref, o_ref):
    b = pl.program_id(0)
    for m, xref in enumerate((x1_ref, x2_ref, x3_ref)):
        t = thr_ref[pl.ds(b, 1), m:m + 1]
        sv = s_ref[m, 0].T
        maskf = (sv > t).astype(jnp.float32)
        o_ref[m, 0] = xref[0] * maskf


_mask_call = pl.pallas_call(
    _mask_body,
    grid=(B, N // _TN),
    in_specs=[
        pl.BlockSpec((1, _TN, C), lambda b, n: (b, n, 0)),
        pl.BlockSpec((1, _TN, C), lambda b, n: (b, n, 0)),
        pl.BlockSpec((1, _TN, C), lambda b, n: (b, n, 0)),
        pl.BlockSpec((3, 1, 1, _TN), lambda b, n: (0, b, 0, n)),
        pl.BlockSpec((B, 3), lambda b, n: (0, 0)),
    ],
    out_specs=pl.BlockSpec((3, 1, _TN, C), lambda b, n: (0, b, n, 0)),
    out_shape=jax.ShapeDtypeStruct((3, B, N, C), jnp.float32),
)



def kernel(x1, x2, x3, Wq_12, bq_12, Wk_12, bk_12, Wq_13, bq_13, Wk_13, bk_13,
           Wq_21, bq_21, Wk_21, bk_21, Wq_23, bq_23, Wk_23, bk_23,
           Wq_31, bq_31, Wk_31, bk_31, Wq_32, bq_32, Wk_32, bk_32,
           mw1, mw2, mw3):
    wqs = jnp.stack([Wq_12, Wq_13, Wq_21, Wq_23, Wq_31, Wq_32])
    wks = jnp.stack([Wk_12, Wk_13, Wk_21, Wk_23, Wk_31, Wk_32])
    bqt = jnp.stack([bq_12, bq_13, bq_21, bq_23, bq_31, bq_32], axis=1)
    bkt = jnp.stack([bk_12, bk_13, bk_21, bk_23, bk_31, bk_32], axis=1)
    ws = jax.nn.softmax(jnp.stack([mw1, mw2, mw3]), axis=-1)

    scores = _scores_call(x1, x2, x3, wqs, bqt, wks, bkt, ws)
    thr24 = _topk_call()(scores.reshape(ROWS, N))
    thr = thr24[:, 0].reshape(3, B).T
    return _mask_call(x1, x2, x3, scores, thr)

# --- scband reference (transcript-rebuilt; emitter-appended) ---
"""Pipeline reference for scband-multi-modal-sdtps-48859547959316 (READ-ONLY COPY).

The authoritative reference and input builder live on the scoring server;
editing this copy changes nothing except your own understanding.
"""

import jax, jax.numpy as jnp
import numpy as np
import math

B, N, C = 8, 4096, 256
H = 4
HD = C // H
SCALE = HD ** -0.5
SPARSE_RATIO = 0.6
PAIRS = ["12", "13", "21", "23", "31", "32"]


def _xavier(key, shape):
    limit = math.sqrt(6.0 / (shape[0] + shape[1]))
    return jax.random.uniform(key, shape, jnp.float32, -limit, limit)


def setup_inputs(seed: int = 0) -> dict:
    key = jax.random.key(seed)
    ks = jax.random.split(key, 3)
    inp = {}
    inp["x1"] = jax.random.normal(ks[0], (B, N, C), jnp.float32)
    inp["x2"] = jax.random.normal(ks[1], (B, N, C), jnp.float32)
    inp["x3"] = jax.random.normal(ks[2], (B, N, C), jnp.float32)
    i = 100
    for p in PAIRS:
        inp["Wq_" + p] = _xavier(jax.random.fold_in(key, i), (C, C)); i += 1
        inp["bq_" + p] = jnp.zeros((C,), jnp.float32)
        inp["Wk_" + p] = _xavier(jax.random.fold_in(key, i), (C, C)); i += 1
        inp["bk_" + p] = jnp.zeros((C,), jnp.float32)
    inp["mw1"] = jnp.ones((3,), jnp.float32)
    inp["mw2"] = jnp.ones((3,), jnp.float32)
    inp["mw3"] = jnp.ones((3,), jnp.float32)
    return inp


def _cos(patches, g):
    pn = patches / (jnp.linalg.norm(patches, axis=-1, keepdims=True) + 1e-8)
    gn = g / (jnp.linalg.norm(g, axis=-1, keepdims=True) + 1e-8)
    return jnp.sum(pn * gn[:, None, :], axis=-1)


def _cross(patches, g, cos, Wq, bq, Wk, bk):
    # global is Query, patches are Keys; softmax over N; per-head cosine weighting then head-mean
    q = (g @ Wq.T + bq).reshape(B, 1, H, HD).transpose(0, 2, 1, 3)
    k = (patches @ Wk.T + bk).reshape(B, N, H, HD).transpose(0, 2, 1, 3)
    attn = jnp.einsum('bhqd,bhkd->bhqk', q, k) * SCALE
    attn = jax.nn.softmax(attn, axis=-1)[:, :, 0, :]
    weighted = attn * cos[:, None, :]
    return jnp.mean(weighted, axis=1)


def _norm_score(s):
    smin = jnp.min(s, axis=-1, keepdims=True)
    smax = jnp.max(s, axis=-1, keepdims=True)
    return (s - smin) / (smax - smin + 1e-8)


def _sparse(tokens, s_im, s_m2, s_m3, mw):
    w = jax.nn.softmax(mw)
    score = w[0] * _norm_score(s_im) + w[1] * _norm_score(s_m2) + w[2] * _norm_score(s_m3)
    num_keep = max(1, math.ceil(N * SPARSE_RATIO))
    idx = jnp.argsort(-score, axis=1)[:, :num_keep]
    mask = jnp.zeros_like(score).at[jnp.arange(score.shape[0])[:, None], idx].set(1.0)
    return tokens * mask[..., None], mask


def reference(x1, x2, x3, Wq_12, bq_12, Wk_12, bk_12, Wq_13, bq_13, Wk_13, bk_13, Wq_21, bq_21, Wk_21, bk_21, Wq_23, bq_23, Wk_23, bk_23, Wq_31, bq_31, Wk_31, bk_31, Wq_32, bq_32, Wk_32, bk_32, mw1, mw2, mw3):
    g1 = jnp.mean(x1, axis=1)
    g2 = jnp.mean(x2, axis=1)
    g3 = jnp.mean(x3, axis=1)
    s1_im = _cos(x1, g1)
    s1_m2 = _cross(x1, g2, _cos(x1, g2), Wq_12, bq_12, Wk_12, bk_12)
    s1_m3 = _cross(x1, g3, _cos(x1, g3), Wq_13, bq_13, Wk_13, bk_13)
    m1, _ = _sparse(x1, s1_im, s1_m2, s1_m3, mw1)
    s2_im = _cos(x2, g2)
    s2_m1 = _cross(x2, g1, _cos(x2, g1), Wq_21, bq_21, Wk_21, bk_21)
    s2_m3 = _cross(x2, g3, _cos(x2, g3), Wq_23, bq_23, Wk_23, bk_23)
    m2, _ = _sparse(x2, s2_im, s2_m1, s2_m3, mw2)
    s3_im = _cos(x3, g3)
    s3_m1 = _cross(x3, g1, _cos(x3, g1), Wq_31, bq_31, Wk_31, bk_31)
    s3_m2 = _cross(x3, g2, _cos(x3, g2), Wq_32, bq_32, Wk_32, bk_32)
    m3, _ = _sparse(x3, s3_im, s3_m1, s3_m2, mw3)
    return jnp.stack([m1, m2, m3], axis=0)

if __name__ == "__main__":
    import jax
    _d = setup_inputs()
    print(jax.jit(kernel)(*tuple(_d.values())))

</pallas_src>

<mosaic_0001>
#map = affine_map<(d0, d1) -> (0, 0)>
module attributes {stable_mosaic.version = 14 : i64} {
  func.func @_topk_body(%arg0: i32, %arg1: i32, %arg2: memref<24x4096xf32, #tpu.memory_space<hbm>>, %arg3: memref<24x16xf32, #tpu.memory_space<hbm>>, %arg4: memref<4096xf32, #tpu.memory_space<vmem>>, %arg5: memref<16xf32, #tpu.memory_space<vmem>>) attributes {dimension_semantics = [#tpu.dimension_semantics<core_parallel>, #tpu.dimension_semantics<subcore_parallel>], iteration_bounds = array<i64: 2, 16>, scalar_prefetch = 0 : i64, scratch_operands = 2 : i64, tpu.core_type = #tpu.core_type<sc_vector_subcore>, window_params = [{transform_indices = #map}, {transform_indices = #map}]} {
    %mul3A = arith.constant 2 : i32
    %mul3A_0 = arith.muli %arg1, %mul3A : i32
    %add3A = arith.addi %mul3A_0, %arg0 : i32
    %lt3A = arith.constant 24 : i32
    %lt3A_1 = arith.cmpi slt, %add3A, %lt3A : i32
    %convert_element_type3A = arith.extui %lt3A_1 : i1 to i32
    %cond3A = arith.constant 0 : i32
    %cond3A_2 = arith.cmpi ne, %convert_element_type3A, %cond3A : i32
    scf.if %cond3A_2 {
      "tpu.region"() ({
        %run_scoped3A = tpu.sem_alloc : memref<!tpu.dma_semaphore, #tpu.memory_space<semaphore_mem>>
        %dma_start3A = arith.constant 0 : i32
        %dma_start3A_16 = tpu.memref_slice %arg2[%add3A, %dma_start3A] : memref<24x4096xf32, #tpu.memory_space<hbm>> -> memref<1x4096xf32, #tpu.memory_space<hbm>>
        %dma_start3A_17 = tpu.memref_squeeze %dma_start3A_16 : memref<1x4096xf32, #tpu.memory_space<hbm>> -> memref<4096xf32, #tpu.memory_space<hbm>>
        %dma_start3A_18 = arith.constant 0 : i32
        %dma_start3A_19 = tpu.memref_slice %arg2[%add3A, %dma_start3A_18] : memref<24x4096xf32, #tpu.memory_space<hbm>> -> memref<1x4096xf32, #tpu.memory_space<hbm>>
        %dma_start3A_20 = tpu.memref_squeeze %dma_start3A_19 : memref<1x4096xf32, #tpu.memory_space<hbm>> -> memref<4096xf32, #tpu.memory_space<hbm>>
        tpu.enqueue_dma source(%dma_start3A_20 : memref<4096xf32, #tpu.memory_space<hbm>>) target(%arg4 : memref<4096xf32, #tpu.memory_space<vmem>>) target_semaphore(%run_scoped3A : memref<!tpu.dma_semaphore, #tpu.memory_space<semaphore_mem>>)
        %dma_wait3A = arith.constant 0 : i32
        %dma_wait3A_21 = tpu.memref_slice %arg2[%add3A, %dma_wait3A] : memref<24x4096xf32, #tpu.memory_space<hbm>> -> memref<1x4096xf32, #tpu.memory_space<hbm>>
        %dma_wait3A_22 = tpu.memref_squeeze %dma_wait3A_21 : memref<1x4096xf32, #tpu.memory_space<hbm>> -> memref<4096xf32, #tpu.memory_space<hbm>>
        %dma_wait3A_23 = arith.constant 0 : i32
        %dma_wait3A_24 = tpu.memref_slice %arg2[%add3A, %dma_wait3A_23] : memref<24x4096xf32, #tpu.memory_space<hbm>> -> memref<1x4096xf32, #tpu.memory_space<hbm>>
        %dma_wait3A_25 = tpu.memref_squeeze %dma_wait3A_24 : memref<1x4096xf32, #tpu.memory_space<hbm>> -> memref<4096xf32, #tpu.memory_space<hbm>>
        tpu.wait_dma2 semaphore(%run_scoped3A : memref<!tpu.dma_semaphore, #tpu.memory_space<semaphore_mem>>) src(%dma_wait3A_25 : memref<4096xf32, #tpu.memory_space<hbm>>) dst(%arg4 : memref<4096xf32, #tpu.memory_space<vmem>>)
        tpu.yield
      }) : () -> ()
      %broadcast_in_dim3A = arith.constant 1 : i32
      %broadcast_in_dim3A_3 = vector.broadcast %broadcast_in_dim3A : i32 to vector<16xi32>
      %broadcast_in_dim3A_4 = arith.constant 0 : i32
      %broadcast_in_dim3A_5 = vector.broadcast %broadcast_in_dim3A_4 : i32 to vector<16xi32>
      %broadcast_in_dim3A_6 = arith.constant 0 : i32
      %broadcast_in_dim3A_7 = vector.broadcast %broadcast_in_dim3A_6 : i32 to vector<16xi32>
      %broadcast_in_dim3A_8 = arith.constant 1065353232 : i32
      %broadcast_in_dim3A_9 = vector.broadcast %broadcast_in_dim3A_8 : i32 to vector<16xi32>
      %scan3A = arith.constant 0 : i32
      %scan3A_10 = arith.constant 32 : i32
      %scan3A_11 = arith.addi %scan3A, %scan3A_10 : i32
      %scan3A_12 = arith.constant 1 : i32
      %scan3A_13:2 = scf.for %scan3A_16 = %scan3A to %scan3A_11 step %scan3A_12 iter_args(%scan3A_17 = %broadcast_in_dim3A_7, %scan3A_18 = %broadcast_in_dim3A_9) -> (vector<16xi32>, vector<16xi32>)  : i32 {
        %add3A_19 = arith.addi %scan3A_17, %scan3A_18 : vector<16xi32>
        %shift_right_logical3A = arith.constant 1 : i32
        %shift_right_logical3A_20 = vector.broadcast %shift_right_logical3A : i32 to vector<16xi32>
        %shift_right_logical3A_21 = arith.shrui %add3A_19, %shift_right_logical3A_20 : vector<16xi32>
        %scan3A_22 = arith.constant 0 : i32
        %scan3A_23 = arith.constant 256 : i32
        %scan3A_24 = arith.addi %scan3A_22, %scan3A_23 : i32
        %scan3A_25 = arith.constant 1 : i32
        %scan3A_26 = scf.for %scan3A_38 = %scan3A_22 to %scan3A_24 step %scan3A_25 iter_args(%scan3A_39 = %broadcast_in_dim3A_5) -> (vector<16xi32>)  : i32 {
          %mul3A_40 = arith.constant 16 : i32
          %mul3A_41 = arith.muli %scan3A_38, %mul3A_40 : i32
          %get3A = arith.index_cast %mul3A_41 : i32 to index
          %get3A_42 = tpu.vector_load %arg4[%get3A] {strides = array<i32>} : memref<4096xf32, #tpu.memory_space<vmem>>, vector<16xf32>,
          %bitcast3A_43 = vector.bitcast %get3A_42 : vector<16xf32> to vector<16xi32>
          %gt3A = arith.cmpi sgt, %bitcast3A_43, %shift_right_logical3A_21 : vector<16xi32>
          %select_n3A_44 = arith.select %gt3A, %broadcast_in_dim3A_3, %broadcast_in_dim3A_5 : vector<16xi1>, vector<16xi32>
          %add3A_45 = arith.addi %scan3A_39, %select_n3A_44 : vector<16xi32>
          scf.yield %add3A_45 : vector<16xi32>
        }
        %scan3A_27 = arith.constant 256 : i32
        %reduce_sum3A = arith.constant true
        %reduce_sum3A_28 = vector.broadcast %reduce_sum3A : i1 to vector<16xi1>
        %reduce_sum3A_29 = tpu.scan <sum>, %scan3A_26 masked %reduce_sum3A_28 : vector<16xi32>, vector<16xi1> -> vector<16xi32>
        %reduce_sum3A_30 = vector.extract %reduce_sum3A_29[15] : i32 from vector<16xi32>
        %broadcast_in_dim3A_31 = arith.constant 1 : i32
        %broadcast_in_dim3A_32 = vector.broadcast %broadcast_in_dim3A_31 : i32 to vector<16xi32>
        %mul3A_33 = vector.broadcast %reduce_sum3A_30 : i32 to vector<16xi32>
        %mul3A_34 = arith.muli %broadcast_in_dim3A_32, %mul3A_33 : vector<16xi32>
        %ge3A = arith.constant 2458 : i32
        %ge3A_35 = vector.broadcast %ge3A : i32 to vector<16xi32>
        %ge3A_36 = arith.cmpi sge, %mul3A_34, %ge3A_35 : vector<16xi32>
        %select_n3A = arith.select %ge3A_36, %shift_right_logical3A_21, %scan3A_17 : vector<16xi1>, vector<16xi32>
        %select_n3A_37 = arith.select %ge3A_36, %scan3A_18, %shift_right_logical3A_21 : vector<16xi1>, vector<16xi32>
        scf.yield %select_n3A, %select_n3A_37 : vector<16xi32>, vector<16xi32>
      }
      %scan3A_14 = arith.constant 32 : i32
      %bitcast3A = vector.bitcast %scan3A_13#0 : vector<16xi32> to vector<16xf32>
      %swap3A = arith.constant 0 : index
      %swap3A_15 = tpu.vector_load %arg5[%swap3A] {strides = array<i32>} : memref<16xf32, #tpu.memory_space<vmem>>, vector<16xf32>,
      tpu.vector_store %arg5[%swap3A], %bitcast3A {strides = array<i32>} : memref<16xf32, #tpu.memory_space<vmem>>, vector<16xf32>,
      "tpu.region"() ({
        %run_scoped3A = tpu.sem_alloc : memref<!tpu.dma_semaphore, #tpu.memory_space<semaphore_mem>>
        %dma_start3A = arith.constant 0 : i32
        %dma_start3A_16 = tpu.memref_slice %arg3[%add3A, %dma_start3A] : memref<24x16xf32, #tpu.memory_space<hbm>> -> memref<1x16xf32, #tpu.memory_space<hbm>>
        %dma_start3A_17 = tpu.memref_squeeze %dma_start3A_16 : memref<1x16xf32, #tpu.memory_space<hbm>> -> memref<16xf32, #tpu.memory_space<hbm>>
        %dma_start3A_18 = arith.constant 0 : i32
        %dma_start3A_19 = tpu.memref_slice %arg3[%add3A, %dma_start3A_18] : memref<24x16xf32, #tpu.memory_space<hbm>> -> memref<1x16xf32, #tpu.memory_space<hbm>>
        %dma_start3A_20 = tpu.memref_squeeze %dma_start3A_19 : memref<1x16xf32, #tpu.memory_space<hbm>> -> memref<16xf32, #tpu.memory_space<hbm>>
        tpu.enqueue_dma source(%arg5 : memref<16xf32, #tpu.memory_space<vmem>>) target(%dma_start3A_20 : memref<16xf32, #tpu.memory_space<hbm>>) target_semaphore(%run_scoped3A : memref<!tpu.dma_semaphore, #tpu.memory_space<semaphore_mem>>)
        %dma_wait3A = arith.constant 0 : i32
        %dma_wait3A_21 = tpu.memref_slice %arg3[%add3A, %dma_wait3A] : memref<24x16xf32, #tpu.memory_space<hbm>> -> memref<1x16xf32, #tpu.memory_space<hbm>>
        %dma_wait3A_22 = tpu.memref_squeeze %dma_wait3A_21 : memref<1x16xf32, #tpu.memory_space<hbm>> -> memref<16xf32, #tpu.memory_space<hbm>>
        %dma_wait3A_23 = arith.constant 0 : i32
        %dma_wait3A_24 = tpu.memref_slice %arg3[%add3A, %dma_wait3A_23] : memref<24x16xf32, #tpu.memory_space<hbm>> -> memref<1x16xf32, #tpu.memory_space<hbm>>
        %dma_wait3A_25 = tpu.memref_squeeze %dma_wait3A_24 : memref<1x16xf32, #tpu.memory_space<hbm>> -> memref<16xf32, #tpu.memory_space<hbm>>
        tpu.wait_dma2 semaphore(%run_scoped3A : memref<!tpu.dma_semaphore, #tpu.memory_space<semaphore_mem>>) src(%arg5 : memref<16xf32, #tpu.memory_space<vmem>>) dst(%dma_wait3A_25 : memref<16xf32, #tpu.memory_space<hbm>>)
        tpu.yield
      }) : () -> ()
    } else {
    }
    return
  }
}

module attributes {stable_mosaic.version = 14 : i64} {
  func.func @_mask_body(%arg0: i32, %arg1: i32, %arg2: memref<1x1024x256xf32, #tpu.memory_space<vmem>>, %arg3: memref<1x1024x256xf32, #tpu.memory_space<vmem>>, %arg4: memref<1x1024x256xf32, #tpu.memory_space<vmem>>, %arg5: memref<3x1x1x1024xf32, #tpu.memory_space<vmem>>, %arg6: memref<8x3xf32, #tpu.memory_space<vmem>>, %arg7: memref<3x1x1024x256xf32, #tpu.memory_space<vmem>>) attributes {dimension_semantics = [#tpu.dimension_semantics<arbitrary>, #tpu.dimension_semantics<arbitrary>], iteration_bounds = array<i64: 8, 4>, scalar_prefetch = 0 : i64, scratch_operands = 0 : i64, tpu.core_type = #tpu.core_type<tc>, window_params = [{transform_indices = @transform_0, window_bounds = array<i64: 1, 1024, 256>}, {transform_indices = @transform_1, window_bounds = array<i64: 1, 1024, 256>}, {transform_indices = @transform_2, window_bounds = array<i64: 1, 1024, 256>}, {transform_indices = @transform_3, window_bounds = array<i64: 3, 1, 1, 1024>}, {pipeline_mode = #tpu.pipeline_mode<synchronous>, transform_indices = @transform_4, window_bounds = array<i64: 8, 3>}, {transform_indices = @transform_5, window_bounds = array<i64: 3, 1, 1024, 256>}]} {
    %get3A = arith.index_cast %arg0 : i32 to index
    %get3A_0 = arith.constant 0 : index
    %get3A_1 = vector.load %arg6[%get3A, %get3A_0] : memref<8x3xf32, #tpu.memory_space<vmem>>, vector<1x1xf32>
    %get3A_2 = arith.constant 0 : index
    %get3A_3 = arith.constant 0 : index
    %get3A_4 = arith.constant 0 : index
    %get3A_5 = arith.constant 0 : index
    %get3A_6 = vector.load %arg5[%get3A_2, %get3A_3, %get3A_4, %get3A_5] : memref<3x1x1x1024xf32, #tpu.memory_space<vmem>>, vector<1x1x1x1024xf32>
    %get3A_7 = vector.shape_cast %get3A_6 : vector<1x1x1x1024xf32> to vector<1x1024xf32>
    %transpose3A = tpu.transpose %get3A_7, [1, 0] : vector<1x1024xf32> -> vector<1024x1xf32>
    %gt3A = vector.broadcast %get3A_1 : vector<1x1xf32> to vector<1024x1xf32>
    %gt3A_8 = arith.cmpf ogt, %transpose3A, %gt3A : vector<1024x1xf32>
    %convert_element_type3A = arith.extui %gt3A_8 : vector<1024x1xi1> to vector<1024x1xi32>
    %convert_element_type3A_9 = arith.sitofp %convert_element_type3A : vector<1024x1xi32> to vector<1024x1xf32>
    %get3A_10 = arith.constant 0 : index
    %get3A_11 = arith.constant 0 : index
    %get3A_12 = arith.constant 0 : index
    %get3A_13 = vector.load %arg2[%get3A_10, %get3A_11, %get3A_12] : memref<1x1024x256xf32, #tpu.memory_space<vmem>>, vector<1x1024x256xf32>
    %get3A_14 = vector.shape_cast %get3A_13 : vector<1x1024x256xf32> to vector<1024x256xf32>
    %mul3A = vector.broadcast %convert_element_type3A_9 : vector<1024x1xf32> to vector<1024x256xf32>
    %mul3A_15 = arith.mulf %get3A_14, %mul3A : vector<1024x256xf32>
    %swap3A = arith.constant 0 : index
    %swap3A_16 = arith.constant 0 : index
    %swap3A_17 = arith.constant 0 : index
    %swap3A_18 = arith.constant 0 : index
    %swap3A_19 = vector.load %arg7[%swap3A, %swap3A_16, %swap3A_17, %swap3A_18] : memref<3x1x1024x256xf32, #tpu.memory_space<vmem>>, vector<1x1x1024x256xf32>
    %swap3A_20 = vector.shape_cast %swap3A_19 : vector<1x1x1024x256xf32> to vector<1024x256xf32>
    %swap3A_21 = vector.shape_cast %mul3A_15 : vector<1024x256xf32> to vector<1x1x1024x256xf32>
    tpu.vector_store %arg7[%swap3A, %swap3A_16, %swap3A_17, %swap3A_18], %swap3A_21 {strides = array<i32>} : memref<3x1x1024x256xf32, #tpu.memory_space<vmem>>, vector<1x1x1024x256xf32>,
    %get3A_22 = arith.index_cast %arg0 : i32 to index
    %get3A_23 = arith.constant 1 : index
    %get3A_24 = vector.load %arg6[%get3A_22, %get3A_23] : memref<8x3xf32, #tpu.memory_space<vmem>>, vector<1x1xf32>
    %get3A_25 = arith.constant 1 : index
    %get3A_26 = arith.constant 0 : index
    %get3A_27 = arith.constant 0 : index
    %get3A_28 = arith.constant 0 : index
    %get3A_29 = vector.load %arg5[%get3A_25, %get3A_26, %get3A_27, %get3A_28] : memref<3x1x1x1024xf32, #tpu.memory_space<vmem>>, vector<1x1x1x1024xf32>
    %get3A_30 = vector.shape_cast %get3A_29 : vector<1x1x1x1024xf32> to vector<1x1024xf32>
    %transpose3A_31 = tpu.transpose %get3A_30, [1, 0] : vector<1x1024xf32> -> vector<1024x1xf32>
    %gt3A_32 = vector.broadcast %get3A_24 : vector<1x1xf32> to vector<1024x1xf32>
    %gt3A_33 = arith.cmpf ogt, %transpose3A_31, %gt3A_32 : vector<1024x1xf32>
    %convert_element_type3A_34 = arith.extui %gt3A_33 : vector<1024x1xi1> to vector<1024x1xi32>
    %convert_element_type3A_35 = arith.sitofp %convert_element_type3A_34 : vector<1024x1xi32> to vector<1024x1xf32>
    %get3A_36 = arith.constant 0 : index
    %get3A_37 = arith.constant 0 : index
    %get3A_38 = arith.constant 0 : index
    %get3A_39 = vector.load %arg3[%get3A_36, %get3A_37, %get3A_38] : memref<1x1024x256xf32, #tpu.memory_space<vmem>>, vector<1x1024x256xf32>
    %get3A_40 = vector.shape_cast %get3A_39 : vector<1x1024x256xf32> to vector<1024x256xf32>
    %mul3A_41 = vector.broadcast %convert_element_type3A_35 : vector<1024x1xf32> to vector<1024x256xf32>
    %mul3A_42 = arith.mulf %get3A_40, %mul3A_41 : vector<1024x256xf32>
    %swap3A_43 = arith.constant 1 : index
    %swap3A_44 = arith.constant 0 : index
    %swap3A_45 = arith.constant 0 : index
    %swap3A_46 = arith.constant 0 : index
    %swap3A_47 = vector.load %arg7[%swap3A_43, %swap3A_44, %swap3A_45, %swap3A_46] : memref<3x1x1024x256xf32, #tpu.memory_space<vmem>>, vector<1x1x1024x256xf32>
    %swap3A_48 = vector.shape_cast %swap3A_47 : vector<1x1x1024x256xf32> to vector<1024x256xf32>
    %swap3A_49 = vector.shape_cast %mul3A_42 : vector<1024x256xf32> to vector<1x1x1024x256xf32>
    tpu.vector_store %arg7[%swap3A_43, %swap3A_44, %swap3A_45, %swap3A_46], %swap3A_49 {strides = array<i32>} : memref<3x1x1024x256xf32, #tpu.memory_space<vmem>>, vector<1x1x1024x256xf32>,
    %get3A_50 = arith.index_cast %arg0 : i32 to index
    %get3A_51 = arith.constant 2 : index
    %get3A_52 = vector.load %arg6[%get3A_50, %get3A_51] : memref<8x3xf32, #tpu.memory_space<vmem>>, vector<1x1xf32>
    %get3A_53 = arith.constant 2 : index
    %get3A_54 = arith.constant 0 : index
    %get3A_55 = arith.constant 0 : index
    %get3A_56 = arith.constant 0 : index
    %get3A_57 = vector.load %arg5[%get3A_53, %get3A_54, %get3A_55, %get3A_56] : memref<3x1x1x1024xf32, #tpu.memory_space<vmem>>, vector<1x1x1x1024xf32>
    %get3A_58 = vector.shape_cast %get3A_57 : vector<1x1x1x1024xf32> to vector<1x1024xf32>
    %transpose3A_59 = tpu.transpose %get3A_58, [1, 0] : vector<1x1024xf32> -> vector<1024x1xf32>
    %gt3A_60 = vector.broadcast %get3A_52 : vector<1x1xf32> to vector<1024x1xf32>
    %gt3A_61 = arith.cmpf ogt, %transpose3A_59, %gt3A_60 : vector<1024x1xf32>
    %convert_element_type3A_62 = arith.extui %gt3A_61 : vector<1024x1xi1> to vector<1024x1xi32>
    %convert_element_type3A_63 = arith.sitofp %convert_element_type3A_62 : vector<1024x1xi32> to vector<1024x1xf32>
    %get3A_64 = arith.constant 0 : index
    %get3A_65 = arith.constant 0 : index
    %get3A_66 = arith.constant 0 : index
    %get3A_67 = vector.load %arg4[%get3A_64, %get3A_65, %get3A_66] : memref<1x1024x256xf32, #tpu.memory_space<vmem>>, vector<1x1024x256xf32>
    %get3A_68 = vector.shape_cast %get3A_67 : vector<1x1024x256xf32> to vector<1024x256xf32>
    %mul3A_69 = vector.broadcast %convert_element_type3A_63 : vector<1024x1xf32> to vector<1024x256xf32>
    %mul3A_70 = arith.mulf %get3A_68, %mul3A_69 : vector<1024x256xf32>
    %swap3A_71 = arith.constant 2 : index
    %swap3A_72 = arith.constant 0 : index
    %swap3A_73 = arith.constant 0 : index
    %swap3A_74 = arith.constant 0 : index
    %swap3A_75 = vector.load %arg7[%swap3A_71, %swap3A_72, %swap3A_73, %swap3A_74] : memref<3x1x1024x256xf32, #tpu.memory_space<vmem>>, vector<1x1x1024x256xf32>
    %swap3A_76 = vector.shape_cast %swap3A_75 : vector<1x1x1024x256xf32> to vector<1024x256xf32>
    %swap3A_77 = vector.shape_cast %mul3A_70 : vector<1024x256xf32> to vector<1x1x1024x256xf32>
    tpu.vector_store %arg7[%swap3A_71, %swap3A_72, %swap3A_73, %swap3A_74], %swap3A_77 {strides = array<i32>} : memref<3x1x1024x256xf32, #tpu.memory_space<vmem>>, vector<1x1x1024x256xf32>,
    return
  }
  func.func @transform_0(%arg0: i32, %arg1: i32) -> (i32, i32, i32) {
    %c0_i32 = arith.constant 0 : i32
    %c0_i32_0 = arith.constant 0 : i32
    return %arg0, %arg1, %c0_i32 : i32, i32, i32
  }
  func.func @transform_1(%arg0: i32, %arg1: i32) -> (i32, i32, i32) {
    %c0_i32 = arith.constant 0 : i32
    %c0_i32_0 = arith.constant 0 : i32
    return %arg0, %arg1, %c0_i32 : i32, i32, i32
  }
  func.func @transform_2(%arg0: i32, %arg1: i32) -> (i32, i32, i32) {
    %c0_i32 = arith.constant 0 : i32
    %c0_i32_0 = arith.constant 0 : i32
    return %arg0, %arg1, %c0_i32 : i32, i32, i32
  }
  func.func @transform_3(%arg0: i32, %arg1: i32) -> (i32, i32, i32, i32) {
    %c0_i32 = arith.constant 0 : i32
    %c0_i32_0 = arith.constant 0 : i32
    %c0_i32_1 = arith.constant 0 : i32
    return %c0_i32, %arg0, %c0_i32_0, %arg1 : i32, i32, i32, i32
  }
  func.func @transform_4(%arg0: i32, %arg1: i32) -> (i32, i32) {
    %c0_i32 = arith.constant 0 : i32
    %c0_i32_0 = arith.constant 0 : i32
    %c0_i32_1 = arith.constant 0 : i32
    return %c0_i32, %c0_i32_0 : i32, i32
  }
  func.func @transform_5(%arg0: i32, %arg1: i32) -> (i32, i32, i32, i32) {
    %c0_i32 = arith.constant 0 : i32
    %c0_i32_0 = arith.constant 0 : i32
    %c0_i32_1 = arith.constant 0 : i32
    return %c0_i32, %arg0, %arg1, %c0_i32_0 : i32, i32, i32, i32
  }
}

module attributes {stable_mosaic.version = 14 : i64} {
  func.func @_scores_body(%arg0: i32, %arg1: memref<1x4096x256xf32, #tpu.memory_space<vmem>>, %arg2: memref<1x4096x256xf32, #tpu.memory_space<vmem>>, %arg3: memref<1x4096x256xf32, #tpu.memory_space<vmem>>, %arg4: memref<6x256x256xf32, #tpu.memory_space<vmem>>, %arg5: memref<256x6xf32, #tpu.memory_space<vmem>>, %arg6: memref<6x256x256xf32, #tpu.memory_space<vmem>>, %arg7: memref<256x6xf32, #tpu.memory_space<vmem>>, %arg8: memref<3x3xf32, #tpu.memory_space<vmem>>, %arg9: memref<3x1x1x4096xf32, #tpu.memory_space<vmem>>) attributes {dimension_semantics = [#tpu.dimension_semantics<arbitrary>], iteration_bounds = array<i64: 8>, scalar_prefetch = 0 : i64, scratch_operands = 0 : i64, tpu.core_type = #tpu.core_type<tc>, window_params = [{transform_indices = @transform_0, window_bounds = array<i64: 1, 4096, 256>}, {transform_indices = @transform_1, window_bounds = array<i64: 1, 4096, 256>}, {transform_indices = @transform_2, window_bounds = array<i64: 1, 4096, 256>}, {pipeline_mode = #tpu.pipeline_mode<synchronous>, transform_indices = @transform_3, window_bounds = array<i64: 6, 256, 256>}, {pipeline_mode = #tpu.pipeline_mode<synchronous>, transform_indices = @transform_4, window_bounds = array<i64: 256, 6>}, {pipeline_mode = #tpu.pipeline_mode<synchronous>, transform_indices = @transform_5, window_bounds = array<i64: 6, 256, 256>}, {pipeline_mode = #tpu.pipeline_mode<synchronous>, transform_indices = @transform_6, window_bounds = array<i64: 256, 6>}, {pipeline_mode = #tpu.pipeline_mode<synchronous>, transform_indices = @transform_7, window_bounds = array<i64: 3, 3>}, {transform_indices = @transform_8, window_bounds = array<i64: 3, 1, 1, 4096>}]} {
    %get3A = arith.constant 0 : index
    %get3A_0 = arith.constant 0 : index
    %get3A_1 = arith.constant 0 : index
    %get3A_2 = vector.load %arg1[%get3A, %get3A_0, %get3A_1] : memref<1x4096x256xf32, #tpu.memory_space<vmem>>, vector<1x4096x256xf32>
    %get3A_3 = vector.shape_cast %get3A_2 : vector<1x4096x256xf32> to vector<4096x256xf32>
    %get3A_4 = arith.constant 0 : index
    %get3A_5 = arith.constant 0 : index
    %get3A_6 = arith.constant 0 : index
    %get3A_7 = vector.load %arg2[%get3A_4, %get3A_5, %get3A_6] : memref<1x4096x256xf32, #tpu.memory_space<vmem>>, vector<1x4096x256xf32>
    %get3A_8 = vector.shape_cast %get3A_7 : vector<1x4096x256xf32> to vector<4096x256xf32>
    %get3A_9 = arith.constant 0 : index
    %get3A_10 = arith.constant 0 : index
    %get3A_11 = arith.constant 0 : index
    %get3A_12 = vector.load %arg3[%get3A_9, %get3A_10, %get3A_11] : memref<1x4096x256xf32, #tpu.memory_space<vmem>>, vector<1x4096x256xf32>
    %get3A_13 = vector.shape_cast %get3A_12 : vector<1x4096x256xf32> to vector<4096x256xf32>
    %reduce_sum3A = arith.constant dense<0.000000e+00> : vector<256xf32>
    %reduce_sum3A_14 = vector.multi_reduction <add>, %get3A_3, %reduce_sum3A [0] : vector<4096x256xf32> to vector<256xf32>
    %broadcast_in_dim3A = vector.shape_cast %reduce_sum3A_14 : vector<256xf32> to vector<1x256xf32>
    %div3A = arith.constant 4.096000e+03 : f32
    %div3A_15 = vector.broadcast %div3A : f32 to vector<1x256xf32>
    %div3A_16 = arith.divf %broadcast_in_dim3A, %div3A_15 : vector<1x256xf32>
    %transpose3A = tpu.transpose %div3A_16, [1, 0] : vector<1x256xf32> -> vector<256x1xf32>
    %mul3A = arith.mulf %transpose3A, %transpose3A : vector<256x1xf32>
    %reduce_sum3A_17 = vector.shape_cast %mul3A : vector<256x1xf32> to vector<1x256x1xf32>
    %reduce_sum3A_18 = arith.constant dense<0.000000e+00> : vector<1xf32>
    %reduce_sum3A_19 = vector.multi_reduction <add>, %reduce_sum3A_17, %reduce_sum3A_18 [1, 2] : vector<1x256x1xf32> to vector<1xf32>
    %reduce_sum3A_20 = vector.shape_cast %reduce_sum3A_19 : vector<1xf32> to vector<1x1x1xf32>
    %reduce_sum3A_21 = vector.extract %reduce_sum3A_20[0, 0, 0] : f32 from vector<1x1x1xf32>
    %sqrt3A = math.sqrt %reduce_sum3A_21 : f32
    %add3A = arith.constant 9.99999993E-9 : f32
    %add3A_22 = arith.addf %sqrt3A, %add3A : f32
    %div3A_23 = vector.broadcast %add3A_22 : f32 to vector<256x1xf32>
    %div3A_24 = arith.divf %transpose3A, %div3A_23 : vector<256x1xf32>
    %reduce_sum3A_25 = arith.constant dense<0.000000e+00> : vector<256xf32>
    %reduce_sum3A_26 = vector.multi_reduction <add>, %get3A_8, %reduce_sum3A_25 [0] : vector<4096x256xf32> to vector<256xf32>
    %broadcast_in_dim3A_27 = vector.shape_cast %reduce_sum3A_26 : vector<256xf32> to vector<1x256xf32>
    %div3A_28 = arith.constant 4.096000e+03 : f32
    %div3A_29 = vector.broadcast %div3A_28 : f32 to vector<1x256xf32>
    %div3A_30 = arith.divf %broadcast_in_dim3A_27, %div3A_29 : vector<1x256xf32>
    %transpose3A_31 = tpu.transpose %div3A_30, [1, 0] : vector<1x256xf32> -> vector<256x1xf32>
    %mul3A_32 = arith.mulf %transpose3A_31, %transpose3A_31 : vector<256x1xf32>
    %reduce_sum3A_33 = vector.shape_cast %mul3A_32 : vector<256x1xf32> to vector<1x256x1xf32>
    %reduce_sum3A_34 = arith.constant dense<0.000000e+00> : vector<1xf32>
    %reduce_sum3A_35 = vector.multi_reduction <add>, %reduce_sum3A_33, %reduce_sum3A_34 [1, 2] : vector<1x256x1xf32> to vector<1xf32>
    %reduce_sum3A_36 = vector.shape_cast %reduce_sum3A_35 : vector<1xf32> to vector<1x1x1xf32>
    %reduce_sum3A_37 = vector.extract %reduce_sum3A_36[0, 0, 0] : f32 from vector<1x1x1xf32>
    %sqrt3A_38 = math.sqrt %reduce_sum3A_37 : f32
    %add3A_39 = arith.constant 9.99999993E-9 : f32
    %add3A_40 = arith.addf %sqrt3A_38, %add3A_39 : f32
    %div3A_41 = vector.broadcast %add3A_40 : f32 to vector<256x1xf32>
    %div3A_42 = arith.divf %transpose3A_31, %div3A_41 : vector<256x1xf32>
    %reduce_sum3A_43 = arith.constant dense<0.000000e+00> : vector<256xf32>
    %reduce_sum3A_44 = vector.multi_reduction <add>, %get3A_13, %reduce_sum3A_43 [0] : vector<4096x256xf32> to vector<256xf32>
    %broadcast_in_dim3A_45 = vector.shape_cast %reduce_sum3A_44 : vector<256xf32> to vector<1x256xf32>
    %div3A_46 = arith.constant 4.096000e+03 : f32
    %div3A_47 = vector.broadcast %div3A_46 : f32 to vector<1x256xf32>
    %div3A_48 = arith.divf %broadcast_in_dim3A_45, %div3A_47 : vector<1x256xf32>
    %transpose3A_49 = tpu.transpose %div3A_48, [1, 0] : vector<1x256xf32> -> vector<256x1xf32>
    %mul3A_50 = arith.mulf %transpose3A_49, %transpose3A_49 : vector<256x1xf32>
    %reduce_sum3A_51 = vector.shape_cast %mul3A_50 : vector<256x1xf32> to vector<1x256x1xf32>
    %reduce_sum3A_52 = arith.constant dense<0.000000e+00> : vector<1xf32>
    %reduce_sum3A_53 = vector.multi_reduction <add>, %reduce_sum3A_51, %reduce_sum3A_52 [1, 2] : vector<1x256x1xf32> to vector<1xf32>
    %reduce_sum3A_54 = vector.shape_cast %reduce_sum3A_53 : vector<1xf32> to vector<1x1x1xf32>
    %reduce_sum3A_55 = vector.extract %reduce_sum3A_54[0, 0, 0] : f32 from vector<1x1x1xf32>
    %sqrt3A_56 = math.sqrt %reduce_sum3A_55 : f32
    %add3A_57 = arith.constant 9.99999993E-9 : f32
    %add3A_58 = arith.addf %sqrt3A_56, %add3A_57 : f32
    %div3A_59 = vector.broadcast %add3A_58 : f32 to vector<256x1xf32>
    %div3A_60 = arith.divf %transpose3A_49, %div3A_59 : vector<256x1xf32>
    %iota3A = tpu.iota {dimensions = array<i32: 0>} : vector<256x4xi32>
    %jit3A = arith.constant 64 : i32
    %div3A_61 = vector.broadcast %jit3A : i32 to vector<256x4xi32>
    %div3A_62 = arith.divsi %iota3A, %div3A_61 : vector<256x4xi32>
    %sign3A = arith.constant 0 : i32
    %sign3A_63 = vector.broadcast %sign3A : i32 to vector<256x4xi32>
    %sign3A_64 = arith.cmpi sgt, %iota3A, %sign3A_63 : vector<256x4xi32>
    %sign3A_65 = arith.extui %sign3A_64 : vector<256x4xi1> to vector<256x4xi32>
    %sign3A_66 = arith.constant 0 : i32
    %sign3A_67 = vector.broadcast %sign3A_66 : i32 to vector<256x4xi32>
    %sign3A_68 = arith.cmpi slt, %iota3A, %sign3A_67 : vector<256x4xi32>
    %sign3A_69 = arith.extui %sign3A_68 : vector<256x4xi1> to vector<256x4xi32>
    %sign3A_70 = arith.subi %sign3A_65, %sign3A_69 : vector<256x4xi32>
    %sign3A_71 = arith.constant 0 : i32
    %sign3A_72 = arith.cmpi sgt, %jit3A, %sign3A_71 : i32
    %sign3A_73 = arith.extui %sign3A_72 : i1 to i32
    %sign3A_74 = arith.constant 0 : i32
    %sign3A_75 = arith.cmpi slt, %jit3A, %sign3A_74 : i32
    %sign3A_76 = arith.extui %sign3A_75 : i1 to i32
    %sign3A_77 = arith.subi %sign3A_73, %sign3A_76 : i32
    %ne3A = vector.broadcast %sign3A_77 : i32 to vector<256x4xi32>
    %ne3A_78 = arith.cmpi ne, %sign3A_70, %ne3A : vector<256x4xi32>
    %rem3A = vector.broadcast %jit3A : i32 to vector<256x4xi32>
    %rem3A_79 = arith.remsi %iota3A, %rem3A : vector<256x4xi32>
    %ne3A_80 = arith.constant 0 : i32
    %ne3A_81 = vector.broadcast %ne3A_80 : i32 to vector<256x4xi32>
    %ne3A_82 = arith.cmpi ne, %rem3A_79, %ne3A_81 : vector<256x4xi32>
    %and3A = arith.andi %ne3A_78, %ne3A_82 : vector<256x4xi1>
    %sub3A = arith.constant 1 : i32
    %sub3A_83 = vector.broadcast %sub3A : i32 to vector<256x4xi32>
    %sub3A_84 = arith.subi %div3A_62, %sub3A_83 : vector<256x4xi32>
    %select_n3A = arith.select %and3A, %sub3A_84, %div3A_62 : vector<256x4xi1>, vector<256x4xi32>
    %iota3A_85 = tpu.iota {dimensions = array<i32: 1>} : vector<256x4xi32>
    %eq3A = arith.cmpi eq, %select_n3A, %iota3A_85 : vector<256x4xi32>
    %convert_element_type3A = arith.extui %eq3A : vector<256x4xi1> to vector<256x4xi32>
    %convert_element_type3A_86 = arith.sitofp %convert_element_type3A : vector<256x4xi32> to vector<256x4xf32>
    %get3A_87 = arith.constant 0 : index
    %get3A_88 = arith.constant 0 : index
    %get3A_89 = vector.load %arg8[%get3A_87, %get3A_88] : memref<3x3xf32, #tpu.memory_space<vmem>>, vector<3x3xf32>
    %mul3A_90 = arith.mulf %get3A_3, %get3A_3 : vector<4096x256xf32>
    %reduce_sum3A_91 = arith.constant dense<0.000000e+00> : vector<4096xf32>
    %reduce_sum3A_92 = vector.multi_reduction <add>, %mul3A_90, %reduce_sum3A_91 [1] : vector<4096x256xf32> to vector<4096xf32>
    %broadcast_in_dim3A_93 = vector.shape_cast %reduce_sum3A_92 : vector<4096xf32> to vector<4096x1xf32>
    %sqrt3A_94 = math.sqrt %broadcast_in_dim3A_93 : vector<4096x1xf32>
    %add3A_95 = arith.constant 9.99999993E-9 : f32
    %add3A_96 = vector.broadcast %add3A_95 : f32 to vector<4096x1xf32>
    %add3A_97 = arith.addf %sqrt3A_94, %add3A_96 : vector<4096x1xf32>
    %div3A_98 = arith.constant 1.000000e+00 : f32
    %div3A_99 = vector.broadcast %div3A_98 : f32 to vector<4096x1xf32>
    %div3A_100 = arith.divf %div3A_99, %add3A_97 : vector<4096x1xf32>
    %get3A_101 = arith.constant 0 : index
    %get3A_102 = arith.constant 0 : index
    %get3A_103 = arith.constant 0 : index
    %get3A_104 = vector.load %arg4[%get3A_101, %get3A_102, %get3A_103] : memref<6x256x256xf32, #tpu.memory_space<vmem>>, vector<1x256x256xf32>
    %get3A_105 = vector.shape_cast %get3A_104 : vector<1x256x256xf32> to vector<256x256xf32>
    %get3A_106 = arith.constant 0 : index
    %get3A_107 = arith.constant 0 : index
    %get3A_108 = vector.load %arg5[%get3A_106, %get3A_107] : memref<256x6xf32, #tpu.memory_space<vmem>>, vector<256x1xf32>
    %dot_general3A = arith.constant dense<0.000000e+00> : vector<256x1xf32>
    %dot_general3A_109 = tpu.matmul %get3A_105, %transpose3A_31, %dot_general3A {dimension_numbers = #tpu.dot_dimension_numbers<[1], [0], [0], [1], [0, 0, 1, 1], [], []>, precision = #tpu.contract_precision<fp32>, transpose_lhs_hint = false} : vector<256x256xf32>, vector<256x1xf32>, vector<256x1xf32> -> vector<256x1xf32>
    %add3A_110 = arith.addf %dot_general3A_109, %get3A_108 : vector<256x1xf32>
    %get3A_111 = arith.constant 0 : index
    %get3A_112 = arith.constant 0 : index
    %get3A_113 = arith.constant 0 : index
    %get3A_114 = vector.load %arg6[%get3A_111, %get3A_112, %get3A_113] : memref<6x256x256xf32, #tpu.memory_space<vmem>>, vector<1x256x256xf32>
    %get3A_115 = vector.shape_cast %get3A_114 : vector<1x256x256xf32> to vector<256x256xf32>
    %mul3A_116 = vector.broadcast %add3A_110 : vector<256x1xf32> to vector<256x256xf32>
    %mul3A_117 = arith.mulf %get3A_115, %mul3A_116 : vector<256x256xf32>
    %dot_general3A_118 = arith.constant dense<0.000000e+00> : vector<256x4xf32>
    %dot_general3A_119 = tpu.matmul %mul3A_117, %convert_element_type3A_86, %dot_general3A_118 {dimension_numbers = #tpu.dot_dimension_numbers<[0], [0], [1], [1], [0, 1, 1, 1], [], []>, precision = #tpu.contract_precision<fp32>, transpose_lhs_hint = false} : vector<256x256xf32>, vector<256x4xf32>, vector<256x4xf32> -> vector<256x4xf32>
    %mul3A_120 = arith.constant 1.250000e-01 : f32
    %mul3A_121 = vector.broadcast %mul3A_120 : f32 to vector<256x4xf32>
    %mul3A_122 = arith.mulf %dot_general3A_119, %mul3A_121 : vector<256x4xf32>
    %get3A_123 = arith.constant 0 : index
    %get3A_124 = arith.constant 0 : index
    %get3A_125 = vector.load %arg7[%get3A_123, %get3A_124] : memref<256x6xf32, #tpu.memory_space<vmem>>, vector<256x1xf32>
    %mul3A_126 = arith.mulf %get3A_125, %add3A_110 : vector<256x1xf32>
    %dot_general3A_127 = arith.constant dense<0.000000e+00> : vector<1x4xf32>
    %dot_general3A_128 = tpu.matmul %mul3A_126, %convert_element_type3A_86, %dot_general3A_127 {dimension_numbers = #tpu.dot_dimension_numbers<[0], [0], [1], [1], [0, 1, 1, 1], [], []>, precision = #tpu.contract_precision<fp32>, transpose_lhs_hint = false} : vector<256x1xf32>, vector<256x4xf32>, vector<1x4xf32> -> vector<1x4xf32>
    %mul3A_129 = arith.constant 1.250000e-01 : f32
    %mul3A_130 = vector.broadcast %mul3A_129 : f32 to vector<1x4xf32>
    %mul3A_131 = arith.mulf %dot_general3A_128, %mul3A_130 : vector<1x4xf32>
    %get3A_132 = arith.constant 1 : index
    %get3A_133 = arith.constant 0 : index
    %get3A_134 = arith.constant 0 : index
    %get3A_135 = vector.load %arg4[%get3A_132, %get3A_133, %get3A_134] : memref<6x256x256xf32, #tpu.memory_space<vmem>>, vector<1x256x256xf32>
    %get3A_136 = vector.shape_cast %get3A_135 : vector<1x256x256xf32> to vector<256x256xf32>
    %get3A_137 = arith.constant 0 : index
    %get3A_138 = arith.constant 1 : index
    %get3A_139 = vector.load %arg5[%get3A_137, %get3A_138] : memref<256x6xf32, #tpu.memory_space<vmem>>, vector<256x1xf32>
    %dot_general3A_140 = arith.constant dense<0.000000e+00> : vector<256x1xf32>
    %dot_general3A_141 = tpu.matmul %get3A_136, %transpose3A_49, %dot_general3A_140 {dimension_numbers = #tpu.dot_dimension_numbers<[1], [0], [0], [1], [0, 0, 1, 1], [], []>, precision = #tpu.contract_precision<fp32>, transpose_lhs_hint = false} : vector<256x256xf32>, vector<256x1xf32>, vector<256x1xf32> -> vector<256x1xf32>
    %add3A_142 = arith.addf %dot_general3A_141, %get3A_139 : vector<256x1xf32>
    %get3A_143 = arith.constant 1 : index
    %get3A_144 = arith.constant 0 : index
    %get3A_145 = arith.constant 0 : index
    %get3A_146 = vector.load %arg6[%get3A_143, %get3A_144, %get3A_145] : memref<6x256x256xf32, #tpu.memory_space<vmem>>, vector<1x256x256xf32>
    %get3A_147 = vector.shape_cast %get3A_146 : vector<1x256x256xf32> to vector<256x256xf32>
    %mul3A_148 = vector.broadcast %add3A_142 : vector<256x1xf32> to vector<256x256xf32>
    %mul3A_149 = arith.mulf %get3A_147, %mul3A_148 : vector<256x256xf32>
    %dot_general3A_150 = arith.constant dense<0.000000e+00> : vector<256x4xf32>
    %dot_general3A_151 = tpu.matmul %mul3A_149, %convert_element_type3A_86, %dot_general3A_150 {dimension_numbers = #tpu.dot_dimension_numbers<[0], [0], [1], [1], [0, 1, 1, 1], [], []>, precision = #tpu.contract_precision<fp32>, transpose_lhs_hint = false} : vector<256x256xf32>, vector<256x4xf32>, vector<256x4xf32> -> vector<256x4xf32>
    %mul3A_152 = arith.constant 1.250000e-01 : f32
    %mul3A_153 = vector.broadcast %mul3A_152 : f32 to vector<256x4xf32>
    %mul3A_154 = arith.mulf %dot_general3A_151, %mul3A_153 : vector<256x4xf32>
    %get3A_155 = arith.constant 0 : index
    %get3A_156 = arith.constant 1 : index
    %get3A_157 = vector.load %arg7[%get3A_155, %get3A_156] : memref<256x6xf32, #tpu.memory_space<vmem>>, vector<256x1xf32>
    %mul3A_158 = arith.mulf %get3A_157, %add3A_142 : vector<256x1xf32>
    %dot_general3A_159 = arith.constant dense<0.000000e+00> : vector<1x4xf32>
    %dot_general3A_160 = tpu.matmul %mul3A_158, %convert_element_type3A_86, %dot_general3A_159 {dimension_numbers = #tpu.dot_dimension_numbers<[0], [0], [1], [1], [0, 1, 1, 1], [], []>, precision = #tpu.contract_precision<fp32>, transpose_lhs_hint = false} : vector<256x1xf32>, vector<256x4xf32>, vector<1x4xf32> -> vector<1x4xf32>
    %mul3A_161 = arith.constant 1.250000e-01 : f32
    %mul3A_162 = vector.broadcast %mul3A_161 : f32 to vector<1x4xf32>
    %mul3A_163 = arith.mulf %dot_general3A_160, %mul3A_162 : vector<1x4xf32>
    %concatenate3A = tpu.concatenate %div3A_24, %div3A_42, %div3A_60, %mul3A_122, %mul3A_154 in 1 : vector<256x1xf32>, vector<256x1xf32>, vector<256x1xf32>, vector<256x4xf32>, vector<256x4xf32> -> vector<256x11xf32>
    %dot_general3A_164 = arith.constant dense<0.000000e+00> : vector<4096x11xf32>
    %dot_general3A_165 = tpu.matmul %get3A_3, %concatenate3A, %dot_general3A_164 {dimension_numbers = #tpu.dot_dimension_numbers<[1], [0], [0], [1], [0, 0, 1, 1], [], []>, precision = #tpu.contract_precision<fp32>, transpose_lhs_hint = false} : vector<4096x256xf32>, vector<256x11xf32>, vector<4096x11xf32> -> vector<4096x11xf32>
    %slice3A = vector.extract_strided_slice %dot_general3A_165 {offsets = [0, 0], sizes = [4096, 1], strides = [1, 1]} : vector<4096x11xf32> to vector<4096x1xf32>
    %mul3A_166 = arith.mulf %slice3A, %div3A_100 : vector<4096x1xf32>
    %slice3A_167 = vector.extract_strided_slice %dot_general3A_165 {offsets = [0, 1], sizes = [4096, 1], strides = [1, 1]} : vector<4096x11xf32> to vector<4096x1xf32>
    %mul3A_168 = arith.mulf %slice3A_167, %div3A_100 : vector<4096x1xf32>
    %slice3A_169 = vector.extract_strided_slice %dot_general3A_165 {offsets = [0, 3], sizes = [4096, 4], strides = [1, 1]} : vector<4096x11xf32> to vector<4096x4xf32>
    %add3A_170 = vector.broadcast %mul3A_131 : vector<1x4xf32> to vector<4096x4xf32>
    %add3A_171 = arith.addf %slice3A_169, %add3A_170 : vector<4096x4xf32>
    %reduce_max3A = arith.constant dense<0xFF800000> : vector<4xf32>
    %reduce_max3A_172 = vector.multi_reduction <maximumf>, %add3A_171, %reduce_max3A [0] : vector<4096x4xf32> to vector<4xf32>
    %broadcast_in_dim3A_173 = vector.shape_cast %reduce_max3A_172 : vector<4xf32> to vector<1x4xf32>
    %sub3A_174 = vector.broadcast %broadcast_in_dim3A_173 : vector<1x4xf32> to vector<4096x4xf32>
    %sub3A_175 = arith.subf %add3A_171, %sub3A_174 : vector<4096x4xf32>
    %exp3A = math.exp %sub3A_175 : vector<4096x4xf32>
    %reduce_sum3A_176 = arith.constant dense<0.000000e+00> : vector<4xf32>
    %reduce_sum3A_177 = vector.multi_reduction <add>, %exp3A, %reduce_sum3A_176 [0] : vector<4096x4xf32> to vector<4xf32>
    %broadcast_in_dim3A_178 = vector.shape_cast %reduce_sum3A_177 : vector<4xf32> to vector<1x4xf32>
    %div3A_179 = vector.broadcast %broadcast_in_dim3A_178 : vector<1x4xf32> to vector<4096x4xf32>
    %div3A_180 = arith.divf %exp3A, %div3A_179 : vector<4096x4xf32>
    %reduce_sum3A_181 = arith.constant dense<0.000000e+00> : vector<4096xf32>
    %reduce_sum3A_182 = vector.multi_reduction <add>, %div3A_180, %reduce_sum3A_181 [1] : vector<4096x4xf32> to vector<4096xf32>
    %broadcast_in_dim3A_183 = vector.shape_cast %reduce_sum3A_182 : vector<4096xf32> to vector<4096x1xf32>
    %div3A_184 = arith.constant 4.000000e+00 : f32
    %div3A_185 = vector.broadcast %div3A_184 : f32 to vector<4096x1xf32>
    %div3A_186 = arith.divf %broadcast_in_dim3A_183, %div3A_185 : vector<4096x1xf32>
    %mul3A_187 = arith.mulf %mul3A_168, %div3A_186 : vector<4096x1xf32>
    %slice3A_188 = vector.extract_strided_slice %dot_general3A_165 {offsets = [0, 2], sizes = [4096, 1], strides = [1, 1]} : vector<4096x11xf32> to vector<4096x1xf32>
    %mul3A_189 = arith.mulf %slice3A_188, %div3A_100 : vector<4096x1xf32>
    %slice3A_190 = vector.extract_strided_slice %dot_general3A_165 {offsets = [0, 7], sizes = [4096, 4], strides = [1, 1]} : vector<4096x11xf32> to vector<4096x4xf32>
    %add3A_191 = vector.broadcast %mul3A_163 : vector<1x4xf32> to vector<4096x4xf32>
    %add3A_192 = arith.addf %slice3A_190, %add3A_191 : vector<4096x4xf32>
    %reduce_max3A_193 = arith.constant dense<0xFF800000> : vector<4xf32>
    %reduce_max3A_194 = vector.multi_reduction <maximumf>, %add3A_192, %reduce_max3A_193 [0] : vector<4096x4xf32> to vector<4xf32>
    %broadcast_in_dim3A_195 = vector.shape_cast %reduce_max3A_194 : vector<4xf32> to vector<1x4xf32>
    %sub3A_196 = vector.broadcast %broadcast_in_dim3A_195 : vector<1x4xf32> to vector<4096x4xf32>
    %sub3A_197 = arith.subf %add3A_192, %sub3A_196 : vector<4096x4xf32>
    %exp3A_198 = math.exp %sub3A_197 : vector<4096x4xf32>
    %reduce_sum3A_199 = arith.constant dense<0.000000e+00> : vector<4xf32>
    %reduce_sum3A_200 = vector.multi_reduction <add>, %exp3A_198, %reduce_sum3A_199 [0] : vector<4096x4xf32> to vector<4xf32>
    %broadcast_in_dim3A_201 = vector.shape_cast %reduce_sum3A_200 : vector<4xf32> to vector<1x4xf32>
    %div3A_202 = vector.broadcast %broadcast_in_dim3A_201 : vector<1x4xf32> to vector<4096x4xf32>
    %div3A_203 = arith.divf %exp3A_198, %div3A_202 : vector<4096x4xf32>
    %reduce_sum3A_204 = arith.constant dense<0.000000e+00> : vector<4096xf32>
    %reduce_sum3A_205 = vector.multi_reduction <add>, %div3A_203, %reduce_sum3A_204 [1] : vector<4096x4xf32> to vector<4096xf32>
    %broadcast_in_dim3A_206 = vector.shape_cast %reduce_sum3A_205 : vector<4096xf32> to vector<4096x1xf32>
    %div3A_207 = arith.constant 4.000000e+00 : f32
    %div3A_208 = vector.broadcast %div3A_207 : f32 to vector<4096x1xf32>
    %div3A_209 = arith.divf %broadcast_in_dim3A_206, %div3A_208 : vector<4096x1xf32>
    %mul3A_210 = arith.mulf %mul3A_189, %div3A_209 : vector<4096x1xf32>
    %broadcast_in_dim3A_211 = arith.constant 0.000000e+00 : f32
    %broadcast_in_dim3A_212 = vector.broadcast %broadcast_in_dim3A_211 : f32 to vector<4096x1xf32>
    %reduce_min3A = arith.constant dense<0x7F800000> : vector<1xf32>
    %reduce_min3A_213 = vector.multi_reduction <minimumf>, %mul3A_166, %reduce_min3A [0] : vector<4096x1xf32> to vector<1xf32>
    %broadcast_in_dim3A_214 = vector.shape_cast %reduce_min3A_213 : vector<1xf32> to vector<1x1xf32>
    %reduce_max3A_215 = arith.constant dense<0xFF800000> : vector<1xf32>
    %reduce_max3A_216 = vector.multi_reduction <maximumf>, %mul3A_166, %reduce_max3A_215 [0] : vector<4096x1xf32> to vector<1xf32>
    %broadcast_in_dim3A_217 = vector.shape_cast %reduce_max3A_216 : vector<1xf32> to vector<1x1xf32>
    %slice3A_218 = vector.extract_strided_slice %get3A_89 {offsets = [0, 0], sizes = [1, 1], strides = [1, 1]} : vector<3x3xf32> to vector<1x1xf32>
    %sub3A_219 = vector.broadcast %broadcast_in_dim3A_214 : vector<1x1xf32> to vector<4096x1xf32>
    %sub3A_220 = arith.subf %mul3A_166, %sub3A_219 : vector<4096x1xf32>
    %sub3A_221 = arith.subf %broadcast_in_dim3A_217, %broadcast_in_dim3A_214 : vector<1x1xf32>
    %add3A_222 = arith.constant 9.99999993E-9 : f32
    %add3A_223 = vector.broadcast %add3A_222 : f32 to vector<1x1xf32>
    %add3A_224 = arith.addf %sub3A_221, %add3A_223 : vector<1x1xf32>
    %div3A_225 = vector.broadcast %add3A_224 : vector<1x1xf32> to vector<4096x1xf32>
    %div3A_226 = arith.divf %sub3A_220, %div3A_225 : vector<4096x1xf32>
    %mul3A_227 = vector.broadcast %slice3A_218 : vector<1x1xf32> to vector<4096x1xf32>
    %mul3A_228 = arith.mulf %mul3A_227, %div3A_226 : vector<4096x1xf32>
    %add3A_229 = arith.addf %broadcast_in_dim3A_212, %mul3A_228 : vector<4096x1xf32>
    %reduce_min3A_230 = arith.constant dense<0x7F800000> : vector<1xf32>
    %reduce_min3A_231 = vector.multi_reduction <minimumf>, %mul3A_187, %reduce_min3A_230 [0] : vector<4096x1xf32> to vector<1xf32>
    %broadcast_in_dim3A_232 = vector.shape_cast %reduce_min3A_231 : vector<1xf32> to vector<1x1xf32>
    %reduce_max3A_233 = arith.constant dense<0xFF800000> : vector<1xf32>
    %reduce_max3A_234 = vector.multi_reduction <maximumf>, %mul3A_187, %reduce_max3A_233 [0] : vector<4096x1xf32> to vector<1xf32>
    %broadcast_in_dim3A_235 = vector.shape_cast %reduce_max3A_234 : vector<1xf32> to vector<1x1xf32>
    %slice3A_236 = vector.extract_strided_slice %get3A_89 {offsets = [0, 1], sizes = [1, 1], strides = [1, 1]} : vector<3x3xf32> to vector<1x1xf32>
    %sub3A_237 = vector.broadcast %broadcast_in_dim3A_232 : vector<1x1xf32> to vector<4096x1xf32>
    %sub3A_238 = arith.subf %mul3A_187, %sub3A_237 : vector<4096x1xf32>
    %sub3A_239 = arith.subf %broadcast_in_dim3A_235, %broadcast_in_dim3A_232 : vector<1x1xf32>
    %add3A_240 = arith.constant 9.99999993E-9 : f32
    %add3A_241 = vector.broadcast %add3A_240 : f32 to vector<1x1xf32>
    %add3A_242 = arith.addf %sub3A_239, %add3A_241 : vector<1x1xf32>
    %div3A_243 = vector.broadcast %add3A_242 : vector<1x1xf32> to vector<4096x1xf32>
    %div3A_244 = arith.divf %sub3A_238, %div3A_243 : vector<4096x1xf32>
    %mul3A_245 = vector.broadcast %slice3A_236 : vector<1x1xf32> to vector<4096x1xf32>
    %mul3A_246 = arith.mulf %mul3A_245, %div3A_244 : vector<4096x1xf32>
    %add3A_247 = arith.addf %add3A_229, %mul3A_246 : vector<4096x1xf32>
    %reduce_min3A_248 = arith.constant dense<0x7F800000> : vector<1xf32>
    %reduce_min3A_249 = vector.multi_reduction <minimumf>, %mul3A_210, %reduce_min3A_248 [0] : vector<4096x1xf32> to vector<1xf32>
    %broadcast_in_dim3A_250 = vector.shape_cast %reduce_min3A_249 : vector<1xf32> to vector<1x1xf32>
    %reduce_max3A_251 = arith.constant dense<0xFF800000> : vector<1xf32>
    %reduce_max3A_252 = vector.multi_reduction <maximumf>, %mul3A_210, %reduce_max3A_251 [0] : vector<4096x1xf32> to vector<1xf32>
    %broadcast_in_dim3A_253 = vector.shape_cast %reduce_max3A_252 : vector<1xf32> to vector<1x1xf32>
    %slice3A_254 = vector.extract_strided_slice %get3A_89 {offsets = [0, 2], sizes = [1, 1], strides = [1, 1]} : vector<3x3xf32> to vector<1x1xf32>
    %sub3A_255 = vector.broadcast %broadcast_in_dim3A_250 : vector<1x1xf32> to vector<4096x1xf32>
    %sub3A_256 = arith.subf %mul3A_210, %sub3A_255 : vector<4096x1xf32>
    %sub3A_257 = arith.subf %broadcast_in_dim3A_253, %broadcast_in_dim3A_250 : vector<1x1xf32>
    %add3A_258 = arith.constant 9.99999993E-9 : f32
    %add3A_259 = vector.broadcast %add3A_258 : f32 to vector<1x1xf32>
    %add3A_260 = arith.addf %sub3A_257, %add3A_259 : vector<1x1xf32>
    %div3A_261 = vector.broadcast %add3A_260 : vector<1x1xf32> to vector<4096x1xf32>
    %div3A_262 = arith.divf %sub3A_256, %div3A_261 : vector<4096x1xf32>
    %mul3A_263 = vector.broadcast %slice3A_254 : vector<1x1xf32> to vector<4096x1xf32>
    %mul3A_264 = arith.mulf %mul3A_263, %div3A_262 : vector<4096x1xf32>
    %add3A_265 = arith.addf %add3A_247, %mul3A_264 : vector<4096x1xf32>
    %transpose3A_266 = tpu.transpose %add3A_265, [1, 0] : vector<4096x1xf32> -> vector<1x4096xf32>
    %swap3A = arith.constant 0 : index
    %swap3A_267 = arith.constant 0 : index
    %swap3A_268 = arith.constant 0 : index
    %swap3A_269 = arith.constant 0 : index
    %swap3A_270 = vector.load %arg9[%swap3A, %swap3A_267, %swap3A_268, %swap3A_269] : memref<3x1x1x4096xf32, #tpu.memory_space<vmem>>, vector<1x1x1x4096xf32>
    %swap3A_271 = vector.shape_cast %swap3A_270 : vector<1x1x1x4096xf32> to vector<1x4096xf32>
    %swap3A_272 = vector.shape_cast %transpose3A_266 : vector<1x4096xf32> to vector<1x1x1x4096xf32>
    tpu.vector_store %arg9[%swap3A, %swap3A_267, %swap3A_268, %swap3A_269], %swap3A_272 {strides = array<i32>} : memref<3x1x1x4096xf32, #tpu.memory_space<vmem>>, vector<1x1x1x4096xf32>,
    %mul3A_273 = arith.mulf %get3A_8, %get3A_8 : vector<4096x256xf32>
    %reduce_sum3A_274 = arith.constant dense<0.000000e+00> : vector<4096xf32>
    %reduce_sum3A_275 = vector.multi_reduction <add>, %mul3A_273, %reduce_sum3A_274 [1] : vector<4096x256xf32> to vector<4096xf32>
    %broadcast_in_dim3A_276 = vector.shape_cast %reduce_sum3A_275 : vector<4096xf32> to vector<4096x1xf32>
    %sqrt3A_277 = math.sqrt %broadcast_in_dim3A_276 : vector<4096x1xf32>
    %add3A_278 = arith.constant 9.99999993E-9 : f32
    %add3A_279 = vector.broadcast %add3A_278 : f32 to vector<4096x1xf32>
    %add3A_280 = arith.addf %sqrt3A_277, %add3A_279 : vector<4096x1xf32>
    %div3A_281 = arith.constant 1.000000e+00 : f32
    %div3A_282 = vector.broadcast %div3A_281 : f32 to vector<4096x1xf32>
    %div3A_283 = arith.divf %div3A_282, %add3A_280 : vector<4096x1xf32>
    %get3A_284 = arith.constant 2 : index
    %get3A_285 = arith.constant 0 : index
    %get3A_286 = arith.constant 0 : index
    %get3A_287 = vector.load %arg4[%get3A_284, %get3A_285, %get3A_286] : memref<6x256x256xf32, #tpu.memory_space<vmem>>, vector<1x256x256xf32>
    %get3A_288 = vector.shape_cast %get3A_287 : vector<1x256x256xf32> to vector<256x256xf32>
    %get3A_289 = arith.constant 0 : index
    %get3A_290 = arith.constant 2 : index
    %get3A_291 = vector.load %arg5[%get3A_289, %get3A_290] : memref<256x6xf32, #tpu.memory_space<vmem>>, vector<256x1xf32>
    %dot_general3A_292 = arith.constant dense<0.000000e+00> : vector<256x1xf32>
    %dot_general3A_293 = tpu.matmul %get3A_288, %transpose3A, %dot_general3A_292 {dimension_numbers = #tpu.dot_dimension_numbers<[1], [0], [0], [1], [0, 0, 1, 1], [], []>, precision = #tpu.contract_precision<fp32>, transpose_lhs_hint = false} : vector<256x256xf32>, vector<256x1xf32>, vector<256x1xf32> -> vector<256x1xf32>
    %add3A_294 = arith.addf %dot_general3A_293, %get3A_291 : vector<256x1xf32>
    %get3A_295 = arith.constant 2 : index
    %get3A_296 = arith.constant 0 : index
    %get3A_297 = arith.constant 0 : index
    %get3A_298 = vector.load %arg6[%get3A_295, %get3A_296, %get3A_297] : memref<6x256x256xf32, #tpu.memory_space<vmem>>, vector<1x256x256xf32>
    %get3A_299 = vector.shape_cast %get3A_298 : vector<1x256x256xf32> to vector<256x256xf32>
    %mul3A_300 = vector.broadcast %add3A_294 : vector<256x1xf32> to vector<256x256xf32>
    %mul3A_301 = arith.mulf %get3A_299, %mul3A_300 : vector<256x256xf32>
    %dot_general3A_302 = arith.constant dense<0.000000e+00> : vector<256x4xf32>
    %dot_general3A_303 = tpu.matmul %mul3A_301, %convert_element_type3A_86, %dot_general3A_302 {dimension_numbers = #tpu.dot_dimension_numbers<[0], [0], [1], [1], [0, 1, 1, 1], [], []>, precision = #tpu.contract_precision<fp32>, transpose_lhs_hint = false} : vector<256x256xf32>, vector<256x4xf32>, vector<256x4xf32> -> vector<256x4xf32>
    %mul3A_304 = arith.constant 1.250000e-01 : f32
    %mul3A_305 = vector.broadcast %mul3A_304 : f32 to vector<256x4xf32>
    %mul3A_306 = arith.mulf %dot_general3A_303, %mul3A_305 : vector<256x4xf32>
    %get3A_307 = arith.constant 0 : index
    %get3A_308 = arith.constant 2 : index
    %get3A_309 = vector.load %arg7[%get3A_307, %get3A_308] : memref<256x6xf32, #tpu.memory_space<vmem>>, vector<256x1xf32>
    %mul3A_310 = arith.mulf %get3A_309, %add3A_294 : vector<256x1xf32>
    %dot_general3A_311 = arith.constant dense<0.000000e+00> : vector<1x4xf32>
    %dot_general3A_312 = tpu.matmul %mul3A_310, %convert_element_type3A_86, %dot_general3A_311 {dimension_numbers = #tpu.dot_dimension_numbers<[0], [0], [1], [1], [0, 1, 1, 1], [], []>, precision = #tpu.contract_precision<fp32>, transpose_lhs_hint = false} : vector<256x1xf32>, vector<256x4xf32>, vector<1x4xf32> -> vector<1x4xf32>
    %mul3A_313 = arith.constant 1.250000e-01 : f32
    %mul3A_314 = vector.broadcast %mul3A_313 : f32 to vector<1x4xf32>
    %mul3A_315 = arith.mulf %dot_general3A_312, %mul3A_314 : vector<1x4xf32>
    %get3A_316 = arith.constant 3 : index
    %get3A_317 = arith.constant 0 : index
    %get3A_318 = arith.constant 0 : index
    %get3A_319 = vector.load %arg4[%get3A_316, %get3A_317, %get3A_318] : memref<6x256x256xf32, #tpu.memory_space<vmem>>, vector<1x256x256xf32>
    %get3A_320 = vector.shape_cast %get3A_319 : vector<1x256x256xf32> to vector<256x256xf32>
    %get3A_321 = arith.constant 0 : index
    %get3A_322 = arith.constant 3 : index
    %get3A_323 = vector.load %arg5[%get3A_321, %get3A_322] : memref<256x6xf32, #tpu.memory_space<vmem>>, vector<256x1xf32>
    %dot_general3A_324 = arith.constant dense<0.000000e+00> : vector<256x1xf32>
    %dot_general3A_325 = tpu.matmul %get3A_320, %transpose3A_49, %dot_general3A_324 {dimension_numbers = #tpu.dot_dimension_numbers<[1], [0], [0], [1], [0, 0, 1, 1], [], []>, precision = #tpu.contract_precision<fp32>, transpose_lhs_hint = false} : vector<256x256xf32>, vector<256x1xf32>, vector<256x1xf32> -> vector<256x1xf32>
    %add3A_326 = arith.addf %dot_general3A_325, %get3A_323 : vector<256x1xf32>
    %get3A_327 = arith.constant 3 : index
    %get3A_328 = arith.constant 0 : index
    %get3A_329 = arith.constant 0 : index
    %get3A_330 = vector.load %arg6[%get3A_327, %get3A_328, %get3A_329] : memref<6x256x256xf32, #tpu.memory_space<vmem>>, vector<1x256x256xf32>
    %get3A_331 = vector.shape_cast %get3A_330 : vector<1x256x256xf32> to vector<256x256xf32>
    %mul3A_332 = vector.broadcast %add3A_326 : vector<256x1xf32> to vector<256x256xf32>
    %mul3A_333 = arith.mulf %get3A_331, %mul3A_332 : vector<256x256xf32>
    %dot_general3A_334 = arith.constant dense<0.000000e+00> : vector<256x4xf32>
    %dot_general3A_335 = tpu.matmul %mul3A_333, %convert_element_type3A_86, %dot_general3A_334 {dimension_numbers = #tpu.dot_dimension_numbers<[0], [0], [1], [1], [0, 1, 1, 1], [], []>, precision = #tpu.contract_precision<fp32>, transpose_lhs_hint = false} : vector<256x256xf32>, vector<256x4xf32>, vector<256x4xf32> -> vector<256x4xf32>
    %mul3A_336 = arith.constant 1.250000e-01 : f32
    %mul3A_337 = vector.broadcast %mul3A_336 : f32 to vector<256x4xf32>
    %mul3A_338 = arith.mulf %dot_general3A_335, %mul3A_337 : vector<256x4xf32>
    %get3A_339 = arith.constant 0 : index
    %get3A_340 = arith.constant 3 : index
    %get3A_341 = vector.load %arg7[%get3A_339, %get3A_340] : memref<256x6xf32, #tpu.memory_space<vmem>>, vector<256x1xf32>
    %mul3A_342 = arith.mulf %get3A_341, %add3A_326 : vector<256x1xf32>
    %dot_general3A_343 = arith.constant dense<0.000000e+00> : vector<1x4xf32>
    %dot_general3A_344 = tpu.matmul %mul3A_342, %convert_element_type3A_86, %dot_general3A_343 {dimension_numbers = #tpu.dot_dimension_numbers<[0], [0], [1], [1], [0, 1, 1, 1], [], []>, precision = #tpu.contract_precision<fp32>, transpose_lhs_hint = false} : vector<256x1xf32>, vector<256x4xf32>, vector<1x4xf32> -> vector<1x4xf32>
    %mul3A_345 = arith.constant 1.250000e-01 : f32
    %mul3A_346 = vector.broadcast %mul3A_345 : f32 to vector<1x4xf32>
    %mul3A_347 = arith.mulf %dot_general3A_344, %mul3A_346 : vector<1x4xf32>
    %concatenate3A_348 = tpu.concatenate %div3A_42, %div3A_24, %div3A_60, %mul3A_306, %mul3A_338 in 1 : vector<256x1xf32>, vector<256x1xf32>, vector<256x1xf32>, vector<256x4xf32>, vector<256x4xf32> -> vector<256x11xf32>
    %dot_general3A_349 = arith.constant dense<0.000000e+00> : vector<4096x11xf32>
    %dot_general3A_350 = tpu.matmul %get3A_8, %concatenate3A_348, %dot_general3A_349 {dimension_numbers = #tpu.dot_dimension_numbers<[1], [0], [0], [1], [0, 0, 1, 1], [], []>, precision = #tpu.contract_precision<fp32>, transpose_lhs_hint = false} : vector<4096x256xf32>, vector<256x11xf32>, vector<4096x11xf32> -> vector<4096x11xf32>
    %slice3A_351 = vector.extract_strided_slice %dot_general3A_350 {offsets = [0, 0], sizes = [4096, 1], strides = [1, 1]} : vector<4096x11xf32> to vector<4096x1xf32>
    %mul3A_352 = arith.mulf %slice3A_351, %div3A_283 : vector<4096x1xf32>
    %slice3A_353 = vector.extract_strided_slice %dot_general3A_350 {offsets = [0, 1], sizes = [4096, 1], strides = [1, 1]} : vector<4096x11xf32> to vector<4096x1xf32>
    %mul3A_354 = arith.mulf %slice3A_353, %div3A_283 : vector<4096x1xf32>
    %slice3A_355 = vector.extract_strided_slice %dot_general3A_350 {offsets = [0, 3], sizes = [4096, 4], strides = [1, 1]} : vector<4096x11xf32> to vector<4096x4xf32>
    %add3A_356 = vector.broadcast %mul3A_315 : vector<1x4xf32> to vector<4096x4xf32>
    %add3A_357 = arith.addf %slice3A_355, %add3A_356 : vector<4096x4xf32>
    %reduce_max3A_358 = arith.constant dense<0xFF800000> : vector<4xf32>
    %reduce_max3A_359 = vector.multi_reduction <maximumf>, %add3A_357, %reduce_max3A_358 [0] : vector<4096x4xf32> to vector<4xf32>
    %broadcast_in_dim3A_360 = vector.shape_cast %reduce_max3A_359 : vector<4xf32> to vector<1x4xf32>
    %sub3A_361 = vector.broadcast %broadcast_in_dim3A_360 : vector<1x4xf32> to vector<4096x4xf32>
    %sub3A_362 = arith.subf %add3A_357, %sub3A_361 : vector<4096x4xf32>
    %exp3A_363 = math.exp %sub3A_362 : vector<4096x4xf32>
    %reduce_sum3A_364 = arith.constant dense<0.000000e+00> : vector<4xf32>
    %reduce_sum3A_365 = vector.multi_reduction <add>, %exp3A_363, %reduce_sum3A_364 [0] : vector<4096x4xf32> to vector<4xf32>
    %broadcast_in_dim3A_366 = vector.shape_cast %reduce_sum3A_365 : vector<4xf32> to vector<1x4xf32>
    %div3A_367 = vector.broadcast %broadcast_in_dim3A_366 : vector<1x4xf32> to vector<4096x4xf32>
    %div3A_368 = arith.divf %exp3A_363, %div3A_367 : vector<4096x4xf32>
    %reduce_sum3A_369 = arith.constant dense<0.000000e+00> : vector<4096xf32>
    %reduce_sum3A_370 = vector.multi_reduction <add>, %div3A_368, %reduce_sum3A_369 [1] : vector<4096x4xf32> to vector<4096xf32>
    %broadcast_in_dim3A_371 = vector.shape_cast %reduce_sum3A_370 : vector<4096xf32> to vector<4096x1xf32>
    %div3A_372 = arith.constant 4.000000e+00 : f32
    %div3A_373 = vector.broadcast %div3A_372 : f32 to vector<4096x1xf32>
    %div3A_374 = arith.divf %broadcast_in_dim3A_371, %div3A_373 : vector<4096x1xf32>
    %mul3A_375 = arith.mulf %mul3A_354, %div3A_374 : vector<4096x1xf32>
    %slice3A_376 = vector.extract_strided_slice %dot_general3A_350 {offsets = [0, 2], sizes = [4096, 1], strides = [1, 1]} : vector<4096x11xf32> to vector<4096x1xf32>
    %mul3A_377 = arith.mulf %slice3A_376, %div3A_283 : vector<4096x1xf32>
    %slice3A_378 = vector.extract_strided_slice %dot_general3A_350 {offsets = [0, 7], sizes = [4096, 4], strides = [1, 1]} : vector<4096x11xf32> to vector<4096x4xf32>
    %add3A_379 = vector.broadcast %mul3A_347 : vector<1x4xf32> to vector<4096x4xf32>
    %add3A_380 = arith.addf %slice3A_378, %add3A_379 : vector<4096x4xf32>
    %reduce_max3A_381 = arith.constant dense<0xFF800000> : vector<4xf32>
    %reduce_max3A_382 = vector.multi_reduction <maximumf>, %add3A_380, %reduce_max3A_381 [0] : vector<4096x4xf32> to vector<4xf32>
    %broadcast_in_dim3A_383 = vector.shape_cast %reduce_max3A_382 : vector<4xf32> to vector<1x4xf32>
    %sub3A_384 = vector.broadcast %broadcast_in_dim3A_383 : vector<1x4xf32> to vector<4096x4xf32>
    %sub3A_385 = arith.subf %add3A_380, %sub3A_384 : vector<4096x4xf32>
    %exp3A_386 = math.exp %sub3A_385 : vector<4096x4xf32>
    %reduce_sum3A_387 = arith.constant dense<0.000000e+00> : vector<4xf32>
    %reduce_sum3A_388 = vector.multi_reduction <add>, %exp3A_386, %reduce_sum3A_387 [0] : vector<4096x4xf32> to vector<4xf32>
    %broadcast_in_dim3A_389 = vector.shape_cast %reduce_sum3A_388 : vector<4xf32> to vector<1x4xf32>
    %div3A_390 = vector.broadcast %broadcast_in_dim3A_389 : vector<1x4xf32> to vector<4096x4xf32>
    %div3A_391 = arith.divf %exp3A_386, %div3A_390 : vector<4096x4xf32>
    %reduce_sum3A_392 = arith.constant dense<0.000000e+00> : vector<4096xf32>
    %reduce_sum3A_393 = vector.multi_reduction <add>, %div3A_391, %reduce_sum3A_392 [1] : vector<4096x4xf32> to vector<4096xf32>
    %broadcast_in_dim3A_394 = vector.shape_cast %reduce_sum3A_393 : vector<4096xf32> to vector<4096x1xf32>
    %div3A_395 = arith.constant 4.000000e+00 : f32
    %div3A_396 = vector.broadcast %div3A_395 : f32 to vector<4096x1xf32>
    %div3A_397 = arith.divf %broadcast_in_dim3A_394, %div3A_396 : vector<4096x1xf32>
    %mul3A_398 = arith.mulf %mul3A_377, %div3A_397 : vector<4096x1xf32>
    %broadcast_in_dim3A_399 = arith.constant 0.000000e+00 : f32
    %broadcast_in_dim3A_400 = vector.broadcast %broadcast_in_dim3A_399 : f32 to vector<4096x1xf32>
    %reduce_min3A_401 = arith.constant dense<0x7F800000> : vector<1xf32>
    %reduce_min3A_402 = vector.multi_reduction <minimumf>, %mul3A_352, %reduce_min3A_401 [0] : vector<4096x1xf32> to vector<1xf32>
    %broadcast_in_dim3A_403 = vector.shape_cast %reduce_min3A_402 : vector<1xf32> to vector<1x1xf32>
    %reduce_max3A_404 = arith.constant dense<0xFF800000> : vector<1xf32>
    %reduce_max3A_405 = vector.multi_reduction <maximumf>, %mul3A_352, %reduce_max3A_404 [0] : vector<4096x1xf32> to vector<1xf32>
    %broadcast_in_dim3A_406 = vector.shape_cast %reduce_max3A_405 : vector<1xf32> to vector<1x1xf32>
    %slice3A_407 = vector.extract_strided_slice %get3A_89 {offsets = [1, 0], sizes = [1, 1], strides = [1, 1]} : vector<3x3xf32> to vector<1x1xf32>
    %sub3A_408 = vector.broadcast %broadcast_in_dim3A_403 : vector<1x1xf32> to vector<4096x1xf32>
    %sub3A_409 = arith.subf %mul3A_352, %sub3A_408 : vector<4096x1xf32>
    %sub3A_410 = arith.subf %broadcast_in_dim3A_406, %broadcast_in_dim3A_403 : vector<1x1xf32>
    %add3A_411 = arith.constant 9.99999993E-9 : f32
    %add3A_412 = vector.broadcast %add3A_411 : f32 to vector<1x1xf32>
    %add3A_413 = arith.addf %sub3A_410, %add3A_412 : vector<1x1xf32>
    %div3A_414 = vector.broadcast %add3A_413 : vector<1x1xf32> to vector<4096x1xf32>
    %div3A_415 = arith.divf %sub3A_409, %div3A_414 : vector<4096x1xf32>
    %mul3A_416 = vector.broadcast %slice3A_407 : vector<1x1xf32> to vector<4096x1xf32>
    %mul3A_417 = arith.mulf %mul3A_416, %div3A_415 : vector<4096x1xf32>
    %add3A_418 = arith.addf %broadcast_in_dim3A_400, %mul3A_417 : vector<4096x1xf32>
    %reduce_min3A_419 = arith.constant dense<0x7F800000> : vector<1xf32>
    %reduce_min3A_420 = vector.multi_reduction <minimumf>, %mul3A_375, %reduce_min3A_419 [0] : vector<4096x1xf32> to vector<1xf32>
    %broadcast_in_dim3A_421 = vector.shape_cast %reduce_min3A_420 : vector<1xf32> to vector<1x1xf32>
    %reduce_max3A_422 = arith.constant dense<0xFF800000> : vector<1xf32>
    %reduce_max3A_423 = vector.multi_reduction <maximumf>, %mul3A_375, %reduce_max3A_422 [0] : vector<4096x1xf32> to vector<1xf32>
    %broadcast_in_dim3A_424 = vector.shape_cast %reduce_max3A_423 : vector<1xf32> to vector<1x1xf32>
    %slice3A_425 = vector.extract_strided_slice %get3A_89 {offsets = [1, 1], sizes = [1, 1], strides = [1, 1]} : vector<3x3xf32> to vector<1x1xf32>
    %sub3A_426 = vector.broadcast %broadcast_in_dim3A_421 : vector<1x1xf32> to vector<4096x1xf32>
    %sub3A_427 = arith.subf %mul3A_375, %sub3A_426 : vector<4096x1xf32>
    %sub3A_428 = arith.subf %broadcast_in_dim3A_424, %broadcast_in_dim3A_421 : vector<1x1xf32>
    %add3A_429 = arith.constant 9.99999993E-9 : f32
    %add3A_430 = vector.broadcast %add3A_429 : f32 to vector<1x1xf32>
    %add3A_431 = arith.addf %sub3A_428, %add3A_430 : vector<1x1xf32>
    %div3A_432 = vector.broadcast %add3A_431 : vector<1x1xf32> to vector<4096x1xf32>
    %div3A_433 = arith.divf %sub3A_427, %div3A_432 : vector<4096x1xf32>
    %mul3A_434 = vector.broadcast %slice3A_425 : vector<1x1xf32> to vector<4096x1xf32>
    %mul3A_435 = arith.mulf %mul3A_434, %div3A_433 : vector<4096x1xf32>
    %add3A_436 = arith.addf %add3A_418, %mul3A_435 : vector<4096x1xf32>
    %reduce_min3A_437 = arith.constant dense<0x7F800000> : vector<1xf32>
    %reduce_min3A_438 = vector.multi_reduction <minimumf>, %mul3A_398, %reduce_min3A_437 [0] : vector<4096x1xf32> to vector<1xf32>
    %broadcast_in_dim3A_439 = vector.shape_cast %reduce_min3A_438 : vector<1xf32> to vector<1x1xf32>
    %reduce_max3A_440 = arith.constant dense<0xFF800000> : vector<1xf32>
    %reduce_max3A_441 = vector.multi_reduction <maximumf>, %mul3A_398, %reduce_max3A_440 [0] : vector<4096x1xf32> to vector<1xf32>
    %broadcast_in_dim3A_442 = vector.shape_cast %reduce_max3A_441 : vector<1xf32> to vector<1x1xf32>
    %slice3A_443 = vector.extract_strided_slice %get3A_89 {offsets = [1, 2], sizes = [1, 1], strides = [1, 1]} : vector<3x3xf32> to vector<1x1xf32>
    %sub3A_444 = vector.broadcast %broadcast_in_dim3A_439 : vector<1x1xf32> to vector<4096x1xf32>
    %sub3A_445 = arith.subf %mul3A_398, %sub3A_444 : vector<4096x1xf32>
    %sub3A_446 = arith.subf %broadcast_in_dim3A_442, %broadcast_in_dim3A_439 : vector<1x1xf32>
    %add3A_447 = arith.constant 9.99999993E-9 : f32
    %add3A_448 = vector.broadcast %add3A_447 : f32 to vector<1x1xf32>
    %add3A_449 = arith.addf %sub3A_446, %add3A_448 : vector<1x1xf32>
    %div3A_450 = vector.broadcast %add3A_449 : vector<1x1xf32> to vector<4096x1xf32>
    %div3A_451 = arith.divf %sub3A_445, %div3A_450 : vector<4096x1xf32>
    %mul3A_452 = vector.broadcast %slice3A_443 : vector<1x1xf32> to vector<4096x1xf32>
    %mul3A_453 = arith.mulf %mul3A_452, %div3A_451 : vector<4096x1xf32>
    %add3A_454 = arith.addf %add3A_436, %mul3A_453 : vector<4096x1xf32>
    %transpose3A_455 = tpu.transpose %add3A_454, [1, 0] : vector<4096x1xf32> -> vector<1x4096xf32>
    %swap3A_456 = arith.constant 1 : index
    %swap3A_457 = arith.constant 0 : index
    %swap3A_458 = arith.constant 0 : index
    %swap3A_459 = arith.constant 0 : index
    %swap3A_460 = vector.load %arg9[%swap3A_456, %swap3A_457, %swap3A_458, %swap3A_459] : memref<3x1x1x4096xf32, #tpu.memory_space<vmem>>, vector<1x1x1x4096xf32>
    %swap3A_461 = vector.shape_cast %swap3A_460 : vector<1x1x1x4096xf32> to vector<1x4096xf32>
    %swap3A_462 = vector.shape_cast %transpose3A_455 : vector<1x4096xf32> to vector<1x1x1x4096xf32>
    tpu.vector_store %arg9[%swap3A_456, %swap3A_457, %swap3A_458, %swap3A_459], %swap3A_462 {strides = array<i32>} : memref<3x1x1x4096xf32, #tpu.memory_space<vmem>>, vector<1x1x1x4096xf32>,
    %mul3A_463 = arith.mulf %get3A_13, %get3A_13 : vector<4096x256xf32>
    %reduce_sum3A_464 = arith.constant dense<0.000000e+00> : vector<4096xf32>
    %reduce_sum3A_465 = vector.multi_reduction <add>, %mul3A_463, %reduce_sum3A_464 [1] : vector<4096x256xf32> to vector<4096xf32>
    %broadcast_in_dim3A_466 = vector.shape_cast %reduce_sum3A_465 : vector<4096xf32> to vector<4096x1xf32>
    %sqrt3A_467 = math.sqrt %broadcast_in_dim3A_466 : vector<4096x1xf32>
    %add3A_468 = arith.constant 9.99999993E-9 : f32
    %add3A_469 = vector.broadcast %add3A_468 : f32 to vector<4096x1xf32>
    %add3A_470 = arith.addf %sqrt3A_467, %add3A_469 : vector<4096x1xf32>
    %div3A_471 = arith.constant 1.000000e+00 : f32
    %div3A_472 = vector.broadcast %div3A_471 : f32 to vector<4096x1xf32>
    %div3A_473 = arith.divf %div3A_472, %add3A_470 : vector<4096x1xf32>
    %get3A_474 = arith.constant 4 : index
    %get3A_475 = arith.constant 0 : index
    %get3A_476 = arith.constant 0 : index
    %get3A_477 = vector.load %arg4[%get3A_474, %get3A_475, %get3A_476] : memref<6x256x256xf32, #tpu.memory_space<vmem>>, vector<1x256x256xf32>
    %get3A_478 = vector.shape_cast %get3A_477 : vector<1x256x256xf32> to vector<256x256xf32>
    %get3A_479 = arith.constant 0 : index
    %get3A_480 = arith.constant 4 : index
    %get3A_481 = vector.load %arg5[%get3A_479, %get3A_480] : memref<256x6xf32, #tpu.memory_space<vmem>>, vector<256x1xf32>
    %dot_general3A_482 = arith.constant dense<0.000000e+00> : vector<256x1xf32>
    %dot_general3A_483 = tpu.matmul %get3A_478, %transpose3A, %dot_general3A_482 {dimension_numbers = #tpu.dot_dimension_numbers<[1], [0], [0], [1], [0, 0, 1, 1], [], []>, precision = #tpu.contract_precision<fp32>, transpose_lhs_hint = false} : vector<256x256xf32>, vector<256x1xf32>, vector<256x1xf32> -> vector<256x1xf32>
    %add3A_484 = arith.addf %dot_general3A_483, %get3A_481 : vector<256x1xf32>
    %get3A_485 = arith.constant 4 : index
    %get3A_486 = arith.constant 0 : index
    %get3A_487 = arith.constant 0 : index
    %get3A_488 = vector.load %arg6[%get3A_485, %get3A_486, %get3A_487] : memref<6x256x256xf32, #tpu.memory_space<vmem>>, vector<1x256x256xf32>
    %get3A_489 = vector.shape_cast %get3A_488 : vector<1x256x256xf32> to vector<256x256xf32>
    %mul3A_490 = vector.broadcast %add3A_484 : vector<256x1xf32> to vector<256x256xf32>
    %mul3A_491 = arith.mulf %get3A_489, %mul3A_490 : vector<256x256xf32>
    %dot_general3A_492 = arith.constant dense<0.000000e+00> : vector<256x4xf32>
    %dot_general3A_493 = tpu.matmul %mul3A_491, %convert_element_type3A_86, %dot_general3A_492 {dimension_numbers = #tpu.dot_dimension_numbers<[0], [0], [1], [1], [0, 1, 1, 1], [], []>, precision = #tpu.contract_precision<fp32>, transpose_lhs_hint = false} : vector<256x256xf32>, vector<256x4xf32>, vector<256x4xf32> -> vector<256x4xf32>
    %mul3A_494 = arith.constant 1.250000e-01 : f32
    %mul3A_495 = vector.broadcast %mul3A_494 : f32 to vector<256x4xf32>
    %mul3A_496 = arith.mulf %dot_general3A_493, %mul3A_495 : vector<256x4xf32>
    %get3A_497 = arith.constant 0 : index
    %get3A_498 = arith.constant 4 : index
    %get3A_499 = vector.load %arg7[%get3A_497, %get3A_498] : memref<256x6xf32, #tpu.memory_space<vmem>>, vector<256x1xf32>
    %mul3A_500 = arith.mulf %get3A_499, %add3A_484 : vector<256x1xf32>
    %dot_general3A_501 = arith.constant dense<0.000000e+00> : vector<1x4xf32>
    %dot_general3A_502 = tpu.matmul %mul3A_500, %convert_element_type3A_86, %dot_general3A_501 {dimension_numbers = #tpu.dot_dimension_numbers<[0], [0], [1], [1], [0, 1, 1, 1], [], []>, precision = #tpu.contract_precision<fp32>, transpose_lhs_hint = false} : vector<256x1xf32>, vector<256x4xf32>, vector<1x4xf32> -> vector<1x4xf32>
    %mul3A_503 = arith.constant 1.250000e-01 : f32
    %mul3A_504 = vector.broadcast %mul3A_503 : f32 to vector<1x4xf32>
    %mul3A_505 = arith.mulf %dot_general3A_502, %mul3A_504 : vector<1x4xf32>
    %get3A_506 = arith.constant 5 : index
    %get3A_507 = arith.constant 0 : index
    %get3A_508 = arith.constant 0 : index
    %get3A_509 = vector.load %arg4[%get3A_506, %get3A_507, %get3A_508] : memref<6x256x256xf32, #tpu.memory_space<vmem>>, vector<1x256x256xf32>
    %get3A_510 = vector.shape_cast %get3A_509 : vector<1x256x256xf32> to vector<256x256xf32>
    %get3A_511 = arith.constant 0 : index
    %get3A_512 = arith.constant 5 : index
    %get3A_513 = vector.load %arg5[%get3A_511, %get3A_512] : memref<256x6xf32, #tpu.memory_space<vmem>>, vector<256x1xf32>
    %dot_general3A_514 = arith.constant dense<0.000000e+00> : vector<256x1xf32>
    %dot_general3A_515 = tpu.matmul %get3A_510, %transpose3A_31, %dot_general3A_514 {dimension_numbers = #tpu.dot_dimension_numbers<[1], [0], [0], [1], [0, 0, 1, 1], [], []>, precision = #tpu.contract_precision<fp32>, transpose_lhs_hint = false} : vector<256x256xf32>, vector<256x1xf32>, vector<256x1xf32> -> vector<256x1xf32>
    %add3A_516 = arith.addf %dot_general3A_515, %get3A_513 : vector<256x1xf32>
    %get3A_517 = arith.constant 5 : index
    %get3A_518 = arith.constant 0 : index
    %get3A_519 = arith.constant 0 : index
    %get3A_520 = vector.load %arg6[%get3A_517, %get3A_518, %get3A_519] : memref<6x256x256xf32, #tpu.memory_space<vmem>>, vector<1x256x256xf32>
    %get3A_521 = vector.shape_cast %get3A_520 : vector<1x256x256xf32> to vector<256x256xf32>
    %mul3A_522 = vector.broadcast %add3A_516 : vector<256x1xf32> to vector<256x256xf32>
    %mul3A_523 = arith.mulf %get3A_521, %mul3A_522 : vector<256x256xf32>
    %dot_general3A_524 = arith.constant dense<0.000000e+00> : vector<256x4xf32>
    %dot_general3A_525 = tpu.matmul %mul3A_523, %convert_element_type3A_86, %dot_general3A_524 {dimension_numbers = #tpu.dot_dimension_numbers<[0], [0], [1], [1], [0, 1, 1, 1], [], []>, precision = #tpu.contract_precision<fp32>, transpose_lhs_hint = false} : vector<256x256xf32>, vector<256x4xf32>, vector<256x4xf32> -> vector<256x4xf32>
    %mul3A_526 = arith.constant 1.250000e-01 : f32
    %mul3A_527 = vector.broadcast %mul3A_526 : f32 to vector<256x4xf32>
    %mul3A_528 = arith.mulf %dot_general3A_525, %mul3A_527 : vector<256x4xf32>
    %get3A_529 = arith.constant 0 : index
    %get3A_530 = arith.constant 5 : index
    %get3A_531 = vector.load %arg7[%get3A_529, %get3A_530] : memref<256x6xf32, #tpu.memory_space<vmem>>, vector<256x1xf32>
    %mul3A_532 = arith.mulf %get3A_531, %add3A_516 : vector<256x1xf32>
    %dot_general3A_533 = arith.constant dense<0.000000e+00> : vector<1x4xf32>
    %dot_general3A_534 = tpu.matmul %mul3A_532, %convert_element_type3A_86, %dot_general3A_533 {dimension_numbers = #tpu.dot_dimension_numbers<[0], [0], [1], [1], [0, 1, 1, 1], [], []>, precision = #tpu.contract_precision<fp32>, transpose_lhs_hint = false} : vector<256x1xf32>, vector<256x4xf32>, vector<1x4xf32> -> vector<1x4xf32>
    %mul3A_535 = arith.constant 1.250000e-01 : f32
    %mul3A_536 = vector.broadcast %mul3A_535 : f32 to vector<1x4xf32>
    %mul3A_537 = arith.mulf %dot_general3A_534, %mul3A_536 : vector<1x4xf32>
    %concatenate3A_538 = tpu.concatenate %div3A_60, %div3A_24, %div3A_42, %mul3A_496, %mul3A_528 in 1 : vector<256x1xf32>, vector<256x1xf32>, vector<256x1xf32>, vector<256x4xf32>, vector<256x4xf32> -> vector<256x11xf32>
    %dot_general3A_539 = arith.constant dense<0.000000e+00> : vector<4096x11xf32>
    %dot_general3A_540 = tpu.matmul %get3A_13, %concatenate3A_538, %dot_general3A_539 {dimension_numbers = #tpu.dot_dimension_numbers<[1], [0], [0], [1], [0, 0, 1, 1], [], []>, precision = #tpu.contract_precision<fp32>, transpose_lhs_hint = false} : vector<4096x256xf32>, vector<256x11xf32>, vector<4096x11xf32> -> vector<4096x11xf32>
    %slice3A_541 = vector.extract_strided_slice %dot_general3A_540 {offsets = [0, 0], sizes = [4096, 1], strides = [1, 1]} : vector<4096x11xf32> to vector<4096x1xf32>
    %mul3A_542 = arith.mulf %slice3A_541, %div3A_473 : vector<4096x1xf32>
    %slice3A_543 = vector.extract_strided_slice %dot_general3A_540 {offsets = [0, 1], sizes = [4096, 1], strides = [1, 1]} : vector<4096x11xf32> to vector<4096x1xf32>
    %mul3A_544 = arith.mulf %slice3A_543, %div3A_473 : vector<4096x1xf32>
    %slice3A_545 = vector.extract_strided_slice %dot_general3A_540 {offsets = [0, 3], sizes = [4096, 4], strides = [1, 1]} : vector<4096x11xf32> to vector<4096x4xf32>
    %add3A_546 = vector.broadcast %mul3A_505 : vector<1x4xf32> to vector<4096x4xf32>
    %add3A_547 = arith.addf %slice3A_545, %add3A_546 : vector<4096x4xf32>
    %reduce_max3A_548 = arith.constant dense<0xFF800000> : vector<4xf32>
    %reduce_max3A_549 = vector.multi_reduction <maximumf>, %add3A_547, %reduce_max3A_548 [0] : vector<4096x4xf32> to vector<4xf32>
    %broadcast_in_dim3A_550 = vector.shape_cast %reduce_max3A_549 : vector<4xf32> to vector<1x4xf32>
    %sub3A_551 = vector.broadcast %broadcast_in_dim3A_550 : vector<1x4xf32> to vector<4096x4xf32>
    %sub3A_552 = arith.subf %add3A_547, %sub3A_551 : vector<4096x4xf32>
    %exp3A_553 = math.exp %sub3A_552 : vector<4096x4xf32>
    %reduce_sum3A_554 = arith.constant dense<0.000000e+00> : vector<4xf32>
    %reduce_sum3A_555 = vector.multi_reduction <add>, %exp3A_553, %reduce_sum3A_554 [0] : vector<4096x4xf32> to vector<4xf32>
    %broadcast_in_dim3A_556 = vector.shape_cast %reduce_sum3A_555 : vector<4xf32> to vector<1x4xf32>
    %div3A_557 = vector.broadcast %broadcast_in_dim3A_556 : vector<1x4xf32> to vector<4096x4xf32>
    %div3A_558 = arith.divf %exp3A_553, %div3A_557 : vector<4096x4xf32>
    %reduce_sum3A_559 = arith.constant dense<0.000000e+00> : vector<4096xf32>
    %reduce_sum3A_560 = vector.multi_reduction <add>, %div3A_558, %reduce_sum3A_559 [1] : vector<4096x4xf32> to vector<4096xf32>
    %broadcast_in_dim3A_561 = vector.shape_cast %reduce_sum3A_560 : vector<4096xf32> to vector<4096x1xf32>
    %div3A_562 = arith.constant 4.000000e+00 : f32
    %div3A_563 = vector.broadcast %div3A_562 : f32 to vector<4096x1xf32>
    %div3A_564 = arith.divf %broadcast_in_dim3A_561, %div3A_563 : vector<4096x1xf32>
    %mul3A_565 = arith.mulf %mul3A_544, %div3A_564 : vector<4096x1xf32>
    %slice3A_566 = vector.extract_strided_slice %dot_general3A_540 {offsets = [0, 2], sizes = [4096, 1], strides = [1, 1]} : vector<4096x11xf32> to vector<4096x1xf32>
    %mul3A_567 = arith.mulf %slice3A_566, %div3A_473 : vector<4096x1xf32>
    %slice3A_568 = vector.extract_strided_slice %dot_general3A_540 {offsets = [0, 7], sizes = [4096, 4], strides = [1, 1]} : vector<4096x11xf32> to vector<4096x4xf32>
    %add3A_569 = vector.broadcast %mul3A_537 : vector<1x4xf32> to vector<4096x4xf32>
    %add3A_570 = arith.addf %slice3A_568, %add3A_569 : vector<4096x4xf32>
    %reduce_max3A_571 = arith.constant dense<0xFF800000> : vector<4xf32>
    %reduce_max3A_572 = vector.multi_reduction <maximumf>, %add3A_570, %reduce_max3A_571 [0] : vector<4096x4xf32> to vector<4xf32>
    %broadcast_in_dim3A_573 = vector.shape_cast %reduce_max3A_572 : vector<4xf32> to vector<1x4xf32>
    %sub3A_574 = vector.broadcast %broadcast_in_dim3A_573 : vector<1x4xf32> to vector<4096x4xf32>
    %sub3A_575 = arith.subf %add3A_570, %sub3A_574 : vector<4096x4xf32>
    %exp3A_576 = math.exp %sub3A_575 : vector<4096x4xf32>
    %reduce_sum3A_577 = arith.constant dense<0.000000e+00> : vector<4xf32>
    %reduce_sum3A_578 = vector.multi_reduction <add>, %exp3A_576, %reduce_sum3A_577 [0] : vector<4096x4xf32> to vector<4xf32>
    %broadcast_in_dim3A_579 = vector.shape_cast %reduce_sum3A_578 : vector<4xf32> to vector<1x4xf32>
    %div3A_580 = vector.broadcast %broadcast_in_dim3A_579 : vector<1x4xf32> to vector<4096x4xf32>
    %div3A_581 = arith.divf %exp3A_576, %div3A_580 : vector<4096x4xf32>
    %reduce_sum3A_582 = arith.constant dense<0.000000e+00> : vector<4096xf32>
    %reduce_sum3A_583 = vector.multi_reduction <add>, %div3A_581, %reduce_sum3A_582 [1] : vector<4096x4xf32> to vector<4096xf32>
    %broadcast_in_dim3A_584 = vector.shape_cast %reduce_sum3A_583 : vector<4096xf32> to vector<4096x1xf32>
    %div3A_585 = arith.constant 4.000000e+00 : f32
    %div3A_586 = vector.broadcast %div3A_585 : f32 to vector<4096x1xf32>
    %div3A_587 = arith.divf %broadcast_in_dim3A_584, %div3A_586 : vector<4096x1xf32>
    %mul3A_588 = arith.mulf %mul3A_567, %div3A_587 : vector<4096x1xf32>
    %broadcast_in_dim3A_589 = arith.constant 0.000000e+00 : f32
    %broadcast_in_dim3A_590 = vector.broadcast %broadcast_in_dim3A_589 : f32 to vector<4096x1xf32>
    %reduce_min3A_591 = arith.constant dense<0x7F800000> : vector<1xf32>
    %reduce_min3A_592 = vector.multi_reduction <minimumf>, %mul3A_542, %reduce_min3A_591 [0] : vector<4096x1xf32> to vector<1xf32>
    %broadcast_in_dim3A_593 = vector.shape_cast %reduce_min3A_592 : vector<1xf32> to vector<1x1xf32>
    %reduce_max3A_594 = arith.constant dense<0xFF800000> : vector<1xf32>
    %reduce_max3A_595 = vector.multi_reduction <maximumf>, %mul3A_542, %reduce_max3A_594 [0] : vector<4096x1xf32> to vector<1xf32>
    %broadcast_in_dim3A_596 = vector.shape_cast %reduce_max3A_595 : vector<1xf32> to vector<1x1xf32>
    %slice3A_597 = vector.extract_strided_slice %get3A_89 {offsets = [2, 0], sizes = [1, 1], strides = [1, 1]} : vector<3x3xf32> to vector<1x1xf32>
    %sub3A_598 = vector.broadcast %broadcast_in_dim3A_593 : vector<1x1xf32> to vector<4096x1xf32>
    %sub3A_599 = arith.subf %mul3A_542, %sub3A_598 : vector<4096x1xf32>
    %sub3A_600 = arith.subf %broadcast_in_dim3A_596, %broadcast_in_dim3A_593 : vector<1x1xf32>
    %add3A_601 = arith.constant 9.99999993E-9 : f32
    %add3A_602 = vector.broadcast %add3A_601 : f32 to vector<1x1xf32>
    %add3A_603 = arith.addf %sub3A_600, %add3A_602 : vector<1x1xf32>
    %div3A_604 = vector.broadcast %add3A_603 : vector<1x1xf32> to vector<4096x1xf32>
    %div3A_605 = arith.divf %sub3A_599, %div3A_604 : vector<4096x1xf32>
    %mul3A_606 = vector.broadcast %slice3A_597 : vector<1x1xf32> to vector<4096x1xf32>
    %mul3A_607 = arith.mulf %mul3A_606, %div3A_605 : vector<4096x1xf32>
    %add3A_608 = arith.addf %broadcast_in_dim3A_590, %mul3A_607 : vector<4096x1xf32>
    %reduce_min3A_609 = arith.constant dense<0x7F800000> : vector<1xf32>
    %reduce_min3A_610 = vector.multi_reduction <minimumf>, %mul3A_565, %reduce_min3A_609 [0] : vector<4096x1xf32> to vector<1xf32>
    %broadcast_in_dim3A_611 = vector.shape_cast %reduce_min3A_610 : vector<1xf32> to vector<1x1xf32>
    %reduce_max3A_612 = arith.constant dense<0xFF800000> : vector<1xf32>
    %reduce_max3A_613 = vector.multi_reduction <maximumf>, %mul3A_565, %reduce_max3A_612 [0] : vector<4096x1xf32> to vector<1xf32>
    %broadcast_in_dim3A_614 = vector.shape_cast %reduce_max3A_613 : vector<1xf32> to vector<1x1xf32>
    %slice3A_615 = vector.extract_strided_slice %get3A_89 {offsets = [2, 1], sizes = [1, 1], strides = [1, 1]} : vector<3x3xf32> to vector<1x1xf32>
    %sub3A_616 = vector.broadcast %broadcast_in_dim3A_611 : vector<1x1xf32> to vector<4096x1xf32>
    %sub3A_617 = arith.subf %mul3A_565, %sub3A_616 : vector<4096x1xf32>
    %sub3A_618 = arith.subf %broadcast_in_dim3A_614, %broadcast_in_dim3A_611 : vector<1x1xf32>
    %add3A_619 = arith.constant 9.99999993E-9 : f32
    %add3A_620 = vector.broadcast %add3A_619 : f32 to vector<1x1xf32>
    %add3A_621 = arith.addf %sub3A_618, %add3A_620 : vector<1x1xf32>
    %div3A_622 = vector.broadcast %add3A_621 : vector<1x1xf32> to vector<4096x1xf32>
    %div3A_623 = arith.divf %sub3A_617, %div3A_622 : vector<4096x1xf32>
    %mul3A_624 = vector.broadcast %slice3A_615 : vector<1x1xf32> to vector<4096x1xf32>
    %mul3A_625 = arith.mulf %mul3A_624, %div3A_623 : vector<4096x1xf32>
    %add3A_626 = arith.addf %add3A_608, %mul3A_625 : vector<4096x1xf32>
    %reduce_min3A_627 = arith.constant dense<0x7F800000> : vector<1xf32>
    %reduce_min3A_628 = vector.multi_reduction <minimumf>, %mul3A_588, %reduce_min3A_627 [0] : vector<4096x1xf32> to vector<1xf32>
    %broadcast_in_dim3A_629 = vector.shape_cast %reduce_min3A_628 : vector<1xf32> to vector<1x1xf32>
    %reduce_max3A_630 = arith.constant dense<0xFF800000> : vector<1xf32>
    %reduce_max3A_631 = vector.multi_reduction <maximumf>, %mul3A_588, %reduce_max3A_630 [0] : vector<4096x1xf32> to vector<1xf32>
    %broadcast_in_dim3A_632 = vector.shape_cast %reduce_max3A_631 : vector<1xf32> to vector<1x1xf32>
    %slice3A_633 = vector.extract_strided_slice %get3A_89 {offsets = [2, 2], sizes = [1, 1], strides = [1, 1]} : vector<3x3xf32> to vector<1x1xf32>
    %sub3A_634 = vector.broadcast %broadcast_in_dim3A_629 : vector<1x1xf32> to vector<4096x1xf32>
    %sub3A_635 = arith.subf %mul3A_588, %sub3A_634 : vector<4096x1xf32>
    %sub3A_636 = arith.subf %broadcast_in_dim3A_632, %broadcast_in_dim3A_629 : vector<1x1xf32>
    %add3A_637 = arith.constant 9.99999993E-9 : f32
    %add3A_638 = vector.broadcast %add3A_637 : f32 to vector<1x1xf32>
    %add3A_639 = arith.addf %sub3A_636, %add3A_638 : vector<1x1xf32>
    %div3A_640 = vector.broadcast %add3A_639 : vector<1x1xf32> to vector<4096x1xf32>
    %div3A_641 = arith.divf %sub3A_635, %div3A_640 : vector<4096x1xf32>
    %mul3A_642 = vector.broadcast %slice3A_633 : vector<1x1xf32> to vector<4096x1xf32>
    %mul3A_643 = arith.mulf %mul3A_642, %div3A_641 : vector<4096x1xf32>
    %add3A_644 = arith.addf %add3A_626, %mul3A_643 : vector<4096x1xf32>
    %transpose3A_645 = tpu.transpose %add3A_644, [1, 0] : vector<4096x1xf32> -> vector<1x4096xf32>
    %swap3A_646 = arith.constant 2 : index
    %swap3A_647 = arith.constant 0 : index
    %swap3A_648 = arith.constant 0 : index
    %swap3A_649 = arith.constant 0 : index
    %swap3A_650 = vector.load %arg9[%swap3A_646, %swap3A_647, %swap3A_648, %swap3A_649] : memref<3x1x1x4096xf32, #tpu.memory_space<vmem>>, vector<1x1x1x4096xf32>
    %swap3A_651 = vector.shape_cast %swap3A_650 : vector<1x1x1x4096xf32> to vector<1x4096xf32>
    %swap3A_652 = vector.shape_cast %transpose3A_645 : vector<1x4096xf32> to vector<1x1x1x4096xf32>
    tpu.vector_store %arg9[%swap3A_646, %swap3A_647, %swap3A_648, %swap3A_649], %swap3A_652 {strides = array<i32>} : memref<3x1x1x4096xf32, #tpu.memory_space<vmem>>, vector<1x1x1x4096xf32>,
    return
  }
  func.func @transform_0(%arg0: i32) -> (i32, i32, i32) {
    %c0_i32 = arith.constant 0 : i32
    %c0_i32_0 = arith.constant 0 : i32
    %c0_i32_1 = arith.constant 0 : i32
    return %arg0, %c0_i32, %c0_i32_0 : i32, i32, i32
  }
  func.func @transform_1(%arg0: i32) -> (i32, i32, i32) {
    %c0_i32 = arith.constant 0 : i32
    %c0_i32_0 = arith.constant 0 : i32
    %c0_i32_1 = arith.constant 0 : i32
    return %arg0, %c0_i32, %c0_i32_0 : i32, i32, i32
  }
  func.func @transform_2(%arg0: i32) -> (i32, i32, i32) {
    %c0_i32 = arith.constant 0 : i32
    %c0_i32_0 = arith.constant 0 : i32
    %c0_i32_1 = arith.constant 0 : i32
    return %arg0, %c0_i32, %c0_i32_0 : i32, i32, i32
  }
  func.func @transform_3(%arg0: i32) -> (i32, i32, i32) {
    %c0_i32 = arith.constant 0 : i32
    %c0_i32_0 = arith.constant 0 : i32
    %c0_i32_1 = arith.constant 0 : i32
    %c0_i32_2 = arith.constant 0 : i32
    return %c0_i32, %c0_i32_0, %c0_i32_1 : i32, i32, i32
  }
  func.func @transform_4(%arg0: i32) -> (i32, i32) {
    %c0_i32 = arith.constant 0 : i32
    %c0_i32_0 = arith.constant 0 : i32
    %c0_i32_1 = arith.constant 0 : i32
    return %c0_i32, %c0_i32_0 : i32, i32
  }
  func.func @transform_5(%arg0: i32) -> (i32, i32, i32) {
    %c0_i32 = arith.constant 0 : i32
    %c0_i32_0 = arith.constant 0 : i32
    %c0_i32_1 = arith.constant 0 : i32
    %c0_i32_2 = arith.constant 0 : i32
    return %c0_i32, %c0_i32_0, %c0_i32_1 : i32, i32, i32
  }
  func.func @transform_6(%arg0: i32) -> (i32, i32) {
    %c0_i32 = arith.constant 0 : i32
    %c0_i32_0 = arith.constant 0 : i32
    %c0_i32_1 = arith.constant 0 : i32
    return %c0_i32, %c0_i32_0 : i32, i32
  }
  func.func @transform_7(%arg0: i32) -> (i32, i32) {
    %c0_i32 = arith.constant 0 : i32
    %c0_i32_0 = arith.constant 0 : i32
    %c0_i32_1 = arith.constant 0 : i32
    return %c0_i32, %c0_i32_0 : i32, i32
  }
  func.func @transform_8(%arg0: i32) -> (i32, i32, i32, i32) {
    %c0_i32 = arith.constant 0 : i32
    %c0_i32_0 = arith.constant 0 : i32
    %c0_i32_1 = arith.constant 0 : i32
    %c0_i32_2 = arith.constant 0 : i32
    return %c0_i32, %arg0, %c0_i32_0, %c0_i32_1 : i32, i32, i32, i32
  }
}

</mosaic_0001>

<sc_bundles>
// kernel: kernel.5.cloned.1.call-start
scs
__scs_entry_jumppad:
0x0: {  	(pc) =	sbr.rel $0x88, $3  }
0x1: {  	(tag) =	ssettag $0x0;
	lr =	simm.s32 $0x1  }
0x2: {  	[smem:$0x3F83] =	sst lr;
	_ =	strace $0xD0000000  }
0x3: {  	_ = 	snop  }
0x4: {  	_ = 	snop  }
0x5: {  	_ = 	snop  }
0x6: {  	_ = 	snop  }
0x7: {  	_ = 	snop  }
__scs_overlays_trampoline_lowered:
0x8: {  	[smem:$0x3F92] =	sst s0  }
0x9: {  	[smem:$0x3F93] =	sst s1  }
0xa: {  	[smem:$0x3F94] =	sst s2  }
0xb: {  	[smem:$0x3F95] =	sst s3  }
0xc: {  	[smem:$0x3F96] =	sst s4  }
0xd: {  	[smem:$0x3F97] =	sst s5  }
0xe: {  	[smem:$0x3F98] =	sst s6  }
0xf: {  	[smem:$0x3F99] =	sst s7  }
0x10: {  	[smem:$0x3F9A] =	sst s8  }
0x11: {  	[smem:$0x3F9B] =	sst s9;
	s0 =	simm.s32 @!p0 $0x0  }
0x12: {  	s1 =	sld [smem:$0x3F81];
	s0 =	simm.s32 @p0 $0x1  }
0x13: {  	[smem:$0x3F9C] =	sst s0;
	s0 =	simm.s32 @!p1 $0x0  }
0x14: {  	s2 =	sld [smem:$0x3F80];
	s0 =	simm.s32 @p1 $0x1  }
0x15: {  	[smem:$0x3F9D] =	sst s0;
	s0 =	simm.s32 @!p2 $0x0  }
0x16: {  	s3 =	sld [smem:$0x3FDB];
	s0 =	simm.s32 @p2 $0x1  }
0x17: {  	s4 =	simm.s32 $0x1BF5;
	[smem:$0x3F9F] =	sst s0  }
0x18: {  	s0 =	sld [smem:$0x3F82];
	_ =	swait.ge [sflag:s4], $0x0  }
0x19: {  	s7 =	sld [smem:$0x3F83]  }
0x1a: {  	s8 =	sadd.s32 $0xFFFFE003, lr  }
0x1b: {  	s9 =	sadd.s32 $0xFFFFFEF7, lr;
	s5 =	simm.s32 $0xFFFFFFFF;
	p2 =	slt.u32 s8, $0xFFFFF086  }
0x1c: {  	p1 =	slt.u32 s9, $0xF7A;
	s5 =	simm.s32 @!p2 $0x0  }
0x1d: {  	s5 =	simm.s32 @p1 $0x1;
	p0 =	seq.s32 s7, s2  }
0x1e: {  	s7 =	smul.u32 @!p0 $0xF7A, s2;
	p2 =	seq.s32 @!p0 s5, $0x0  }
0x1f: {  	s9 =	smul.u32 $0xF7A, s1;
	s8 =	simm.s32 @!p0 $0x1BF5;
	p2 =	por !p2, p0  }
0x20: {  	[sflag:s8] =	ssyncset.s32 @!p0 $0xFFFFF086;
	s6 =	sadd.s32 @!p0 s3, s7;
	s7 =	simm.s32 @!p0 $0x108  }
0x21: {  	s3 =	sadd.s32 s3, s9;
	s6 =	sadd.s32 @!p0 $0x88, s6;
	s7 =	simm.s32 @p2 $0x1082  }
0x22: {  	[simem:s7], [sflag:s8] =	dma.local @!p0 [hbm:s6], $0xF7A  }
0x23: {  	s9 =	sor.u32 $0xD0000000, s2;
	s6 =	simm.s32 $0x108;
	_ =	swait.ge @!p0 [sflag:s8], $0x0  }
0x24: {  	s3 =	sadd.s32 $0x88, s3;
	s6 =	simm.s32 @!p1 $0x1082;
	[sflag:s4] =	ssyncset.s32 $0xFFFFF086  }
0x25: {  	[simem:s6], [sflag:s4] =	dma.local [hbm:s3], $0xF7A  }
0x26: {  	[smem:$0x3F83] =	sst s1;
	(tag) =	ssettag s2;
	_ =	strace s9  }
0x27: {  	s1 =	sld [smem:$0x3F93]  }
0x28: {  	s2 =	sld [smem:$0x3F94]  }
0x29: {  	s4 =	sld [smem:$0x3F96]  }
0x2a: {  	p0 =	seq.s32 s5, $0x0;
	s5 =	sld [smem:$0x3F97]  }
0x2b: {  	s6 =	sld [smem:$0x3F98]  }
0x2c: {  	s7 =	sld [smem:$0x3F99]  }
0x2d: {  	s3 =	simm.s32 $0x108;
	s8 =	sld [smem:$0x3F9A]  }
0x2e: {  	s3 =	simm.s32 @!p0 $0x1082;
	s9 =	sld [smem:$0x3F9B]  }
0x2f: {  	lr =	sadd.s32 s0, s3;
	s0 =	sld [smem:$0x3F92]  }
0x30: {  	s3 =	sld [smem:$0x3F95]  }
0x31: {  	[smem:$0x3F9E] =	sst s10  }
0x32: {  	s10 =	sld [smem:$0x3F9C];
	_ =	sdelay $0x3  }
0x33: {  	p0 =	seq.s32 s10, $0x1;
	s10 =	sld [smem:$0x3F9E];
	_ =	sdelay $0x3  }
0x34: {  	[smem:$0x3F9E] =	sst s10  }
0x35: {  	s10 =	sld [smem:$0x3F9D];
	_ =	sdelay $0x3  }
0x36: {  	p1 =	seq.s32 s10, $0x1;
	s10 =	sld [smem:$0x3F9E];
	_ =	sdelay $0x3  }
0x37: {  	[smem:$0x3F9E] =	sst s10  }
0x38: {  	s10 =	sld [smem:$0x3F9F]  }
0x39: {  	_ = 	snop;
	(pc) =	sbr.ind lr, $3  }
0x3a: {  	_ = 	snop  }
0x3b: {  	_ = 	snop  }
0x3c: {  	p2 =	seq.s32 s10, $0x1;
	s10 =	sld [smem:$0x3F9E]  }
0x3d: {  	_ =	shalt  }
0x3e: {  	_ =	shalt  }
0x3f: {  	_ =	shalt  }
0x40: {  	_ =	shalt  }
0x41: {  	_ =	shalt  }
0x42: {  	_ =	shalt  }
0x43: {  	_ =	shalt  }
0x44: {  	_ =	shalt  }
0x45: {  	_ =	shalt  }
0x46: {  	_ =	shalt  }
0x47: {  	_ =	shalt  }
0x48: {  	_ =	shalt  }
0x49: {  	_ =	shalt  }
0x4a: {  	_ =	shalt  }
0x4b: {  	_ =	shalt  }
0x4c: {  	_ =	shalt  }
0x4d: {  	_ =	shalt  }
0x4e: {  	_ =	shalt  }
0x4f: {  	_ =	shalt  }
0x50: {  	_ =	shalt  }
0x51: {  	_ =	shalt  }
0x52: {  	_ =	shalt  }
0x53: {  	_ =	shalt  }
0x54: {  	_ =	shalt  }
0x55: {  	_ =	shalt  }
0x56: {  	_ =	shalt  }
0x57: {  	_ =	shalt  }
0x58: {  	_ =	shalt  }
0x59: {  	_ =	shalt  }
0x5a: {  	_ =	shalt  }
0x5b: {  	_ =	shalt  }
0x5c: {  	_ =	shalt  }
0x5d: {  	_ =	shalt  }
0x5e: {  	_ =	shalt  }
0x5f: {  	_ =	shalt  }
0x60: {  	_ =	shalt  }
0x61: {  	_ =	shalt  }
0x62: {  	_ =	shalt  }
0x63: {  	_ =	shalt  }
0x64: {  	_ =	shalt  }
0x65: {  	_ =	shalt  }
0x66: {  	_ =	shalt  }
0x67: {  	_ =	shalt  }
0x68: {  	_ =	shalt  }
0x69: {  	_ =	shalt  }
0x6a: {  	_ =	shalt  }
0x6b: {  	_ =	shalt  }
0x6c: {  	_ =	shalt  }
0x6d: {  	_ =	shalt  }
0x6e: {  	_ =	shalt  }
0x6f: {  	_ =	shalt  }
0x70: {  	_ =	shalt  }
0x71: {  	_ =	shalt  }
0x72: {  	_ =	shalt  }
0x73: {  	_ =	shalt  }
0x74: {  	_ =	shalt  }
0x75: {  	_ =	shalt  }
0x76: {  	_ =	shalt  }
0x77: {  	_ =	shalt  }
0x78: {  	_ =	shalt  }
0x79: {  	_ =	shalt  }
0x7a: {  	_ =	shalt  }
0x7b: {  	_ =	shalt  }
0x7c: {  	_ =	shalt  }
0x7d: {  	_ =	shalt  }
0x7e: {  	_ =	shalt  }
0x7f: {  	_ =	shalt  }
0x80: {  	_ =	shalt  }
0x81: {  	_ =	shalt  }
0x82: {  	_ =	shalt  }
0x83: {  	_ =	shalt  }
0x84: {  	_ =	shalt  }
0x85: {  	_ =	shalt  }
0x86: {  	_ =	shalt  }
0x87: {  	_ =	shalt  }
.Lfunc_end0:
.L_simem_size_0:
called_computation_lowered:
.L_overlay_start_0:
0x88: {  	s2 =	sld [smem:$0x3FD9]  }
0x89: {  	s3 =	sld [smem:$0x3FFE];
	_ =	sdelay $0x1  }
0x8a: {  	s1 =	srdreg.scid  }
0x8b: {  	s0 =	sand.u32 $0x1, s1  }
0x8c: {  	s17 =	sshll.u32 s0, $0xA;
	s2 =	sadd.s32 s3, s2  }
0x8d: {  	s2 =	sadd.s32 s2, s17  }
0x8e: {  	[smem:$0x3FAA] =	sst s2  }
0x8f: {  	_ = 	snop  }
0x90: {  	s2 =	sld [smem:$0x3FD0];
	(tm) =	ssettm $0x1  }
0x91: {  	s18 =	sld [smem:$0x3FFB];
	_ =	sdelay $0x3  }
0x92: {  	_ =	strace s18  }
0x93: {  	s3 =	sld [smem:$0x3FFC];
	_ =	sdelay $0x3  }
0x94: {  	_ =	strace s3  }
0x95: {  	s3 =	sld [smem:$0x3FFD];
	_ =	sdelay $0x3  }
0x96: {  	_ =	strace s3  }
0x97: {  	_ =	strace $0x8FFFFFFF  }
0x98: {  	s19 =	sld [smem:$0x3FDB];
	_ =	sdelay $0x1  }
0x99: {  	s4 =	simm.s32 $_scs_section_size  }
0x9a: {  	s5 =	simm.s32 $_size__tile_overlayer_lowered;
	s6 =	simm.s32 $_tile_overlayer_lowered  }
0x9b: {  	s22 =	simm.s32 $0x1BFF;
	s21 =	sshll.u32 s6, $0x1;
	s3 =	sadd.s32 s4, s19  }
0x9c: {  	s7 =	simm.s32 $0x0;
	s20 =	sshll.u32 s5, $0x1;
	s5 =	sadd.s32 s21, s3  }
0x9d: {  	[timem:s7], [sflag:s22] =	dma.local [hbm:s5], s20  }
0x9e: {  	_ =	swait.ge [sflag:s22], s20  }
0x9f: {  	s4 =	ssub.s32 $0x0, s20;
	[sflag:s22] =	ssyncset.done $0x0  }
0xa0: {  	[sflag:s22] =	ssyncadd.s32 s4;
	_ =	sdelay $0x1  }
0xa1: {  	s23 =	simm.s32 $0x1B8B  }
0xa2: {  	_ =	swait.ge [sflag:s23], $0x1  }
0xa3: {  	[sflag:s23] =	ssyncset.done $0x0  }
0xa4: {  	s25 =	simm.s32 $0x1B8E;
	s24 =	sld [smem:$0x3FFE];
	[sflag:s23] =	ssyncadd.s32 $0xFFFFFFFF  }
0xa5: {  	s26 =	simm.s32 $execute0_lowered;
	[smem:$0x3FD2] =	sst s25  }
0xa6: {  	s5 =	sshll.u32 s26, $0x1;
	_ =	strace $0x80000046;
	[dreg:$0x1] =	wrdreg $0xFFFFFFFF  }
0xa7: {  	s28 =	simm.s32 $_size_execute0_lowered;
	s3 =	sadd.s32 s3, s5;
	[dreg:$0x0] =	wrdreg $0x0  }
0xa8: {  	s5 =	sshll.u32 s28, $0x1;
	[dreg:$0x2] =	wrdreg s3  }
0xa9: {  	[dreg:$0x3] =	wrdreg s5  }
0xaa: {  	[dreg:$0x4] =	wrdreg $0xC0  }
0xab: {  	_ =	task [dreg:s7], $0x5FFFF  }
0xac: {  	[dreg:$0x1] =	wrdreg $0xFFFFFFFF  }
0xad: {  	[dreg:$0x0] =	wrdreg $0x60  }
0xae: {  	[dreg:$0x2] =	wrdreg s2  }
0xaf: {  	[dreg:$0x3] =	wrdreg s24  }
0xb0: {  	[dreg:$0x4] =	wrdreg $0x9  }
0xb1: {  	_ =	task.clear_ibuf [dreg:s7], $0x5FFFF;
	_ =	strace $0x90000046  }
0xb2: {  	s29 =	simm.s32 $0x9;
	_ =	strace $0x80000048  }
0xb3: {  	_ =	swait.ge [sflag:s29], $0x1  }
0xb4: {  	[sflag:s29] =	ssyncadd.s32 $0xFFFFFFFF  }
0xb5: {  	_ =	strace $0x90000048  }
0xb6: {  	_ =	sfence  }
0xb7: {  	s30 =	sld [smem:$0x0];
	_ =	sdelay $0x2  }
0xb8: {  	s31 =	sshll.u32 s1, $0xD;
	s1 =	sshrl.u32 s1, $0x2  }
0xb9: {  	s3 =	sand.u32 $0x4000, s31;
	s1 =	sadd.s32 s1, s30  }
0xba: {  	s0 =	sor.u32 s3, s0;
	s1 =	sshll.u32 s1, $0x11  }
0xbb: {  	s0 =	sor.u32 s1, s0  }
0xbc: {  	s0 =	sadd.s32 $0x8F2B, s0  }
0xbd: {  	[sflag:s0] =	ssyncadd.remote.s32 $0x1  }
0xbe: {  	_ =	sfence.sel $0xFFFF  }
0xbf: {  	[dreg:$0x0] =	wrdreg $0xFFFFFFFF;
	(pc) =	sbr.abs _section_cstart, $3  }
0xc0: {  	[dreg:$0x1] =	wrdreg $0xFFFFFFFF  }
0xc1: {  	_ =	task.clear_ibuf [dreg:s7], $0x2FFFF;
	_ =	strace $0x9FFFFFFF  }
0xc2: {  	(tm) =	ssettm $0x7FFFFFFF  }
0xc3: {  	_ =	shalt  }
tec
execute0_lowered:
.L_overlay_start_1:
0x0: {  	(tag) =	ssettag $0x1  }
0x1: {  	s1 =	stileid.u32  }
0x2: {  	p0 =	sgt.u32 s1, $0xB  }
.Ltmp0:
0x3: {  	_ = 	snop;
	(pc) =	sbr.rel @p0 .LBB2_7-.Ltmp0, $4  }
0x4: {  	s4 =	rddreg [dreg:$0x0]  }
0x5: {  	s3 =	rddreg [dreg:$0x1];
	s2 =	simm.s32 $0x0  }
0x6: {  	[smem:$0x7FF] =	sst s2  }
0x7: {  	s0 =	rddreg [dreg:$0x2];
	_ =	strace $0x80000047  }
0x8: {  	s5 =	srdreg.scid  }
0x9: {  	s6 =	sshll.u32 s1, $0x8;
	s7 =	sshrl.u32 s1, $0x2;
	s9 =	simm.s32 $0x1000  }
0xa: {  	s10 =	simm.s32 $0x0;
	s5 =	sand.u32 $0x1, s5;
	s6 =	sand.u32 $0x300, s6  }
0xb: {  	s30 =	sshll.u32 s7, $0xA;
	s8 =	sshll.u32 s5, $0x7;
	s5 =	ssub.s32 $0x2, s5  }
0xc: {  	s7 =	sshll.u32 s7, $0xF;
	s6 =	sor.u32 s8, s6;
	s31 =	sshrl.u32 s5, $0x1  }
0xd: {  	s8 =	sor.u32 s30, s6;
	s6 =	sor.u32 s7, s6;
	s5 =	ssub.s32 s5, s31  }
0xe: {  	s7 =	simm.s32 $0x400;
	s8 =	sshrl.u32 s8, $0x3;
	s6 =	sshrl.u32 s6, $0x3  }
0xf: {  	s5 =	smax.u32 s5, $0x1;
	s3 =	sadd.s32 s8, s3;
	s4 =	sadd.s32 s4, s6  }
0x10: {  	v0 =	vimm.s32 $0x0;
	s6 =	simm.s32 $0x80;
	s8 =	simm.s32 $0x1;
	s3 =	sadd.s32 $0xC00, s3  }
.LBB2_2:
0x11: {  	s11 =	simm.s32 $0x0  }
0x12: {  	[tilespmem:s11], [sflag:$0x1] =	stream.strided.gather [hbm4b:s4+s6], $0x1000, s7, s6, $0x38;
	[tilespmem:$0x1080] =	vst v63  }
0x13: {  	_ =	swait.ge [sflag:s8], $0x1000  }
0x14: {  	[sflag:s8] =	ssyncset.done $0x0  }
0x15: {  	v2 =	vimm.s32 $0x3F800010;
	v1 =	vimm.s32 $0x0;
	[sflag:s8] =	ssyncadd.s32 $0xFFFFF000  }
.LBB2_3:
0x16: {  	s13 =	simm.s32 $0x0  }
0x17: {  	v3 =	vadd.s32 v1, v2;
	v5 =	vld [tilespmem:s13+$0x0]  }
0x18: {  	v4 =	vimm.s32 $0x0;
	s12 =	simm.s32 $0x40;
	v3 =	vshrl.u32 v3, $0x1  }
.LBB2_4:
0x19: {  	p0 =	sne.s32 s12, $0x3FC0  }
.Ltmp1:
0x1a: {  	_ = 	snop;
	(pc) =	sbr.rel @p0 .LBB2_4-.Ltmp1, $4  }
0x1b: {  	_ = 	snop  }
0x1c: {  	s13 =	sshra.s32 s12, $0x2;
	s12 =	sadd.s32 $0x40, s12;
	vm0 =	vgt.s32 v5, v3  }
0x1d: {  	v5 =	vld [tilespmem:s13+$0x0];
	v6 =	vsel vm0, $0x1, v0  }
0x1e: {  	v4 =	vadd.s32 v6, v4  }
0x1f: {  	_ =	sdelay $0x2  }
0x20: {  	vm0 =	vgt.s32 v5, v3  }
0x21: {  	v5 =	vsel vm0, $0x1, v0  }
0x22: {  	v4 =	vadd.s32 v5, v4  }
0x23: {  	(xrf0) =	vadd.scan.msk.s32 $0xffff, v4;
	_ =	sdelay $0x5  }
0x24: {  	v4, _, _ =	vpop (xrf0)  }
0x25: {  	s11 =	sadd.s32 $0x1, s11;
	vm14 =	vgt.s32 v4, $0x999  }
0x26: {  	p0 =	sne.s32 s11, $0x20;
	v4 =	vsel vm14, $0x1, v0  }
.Ltmp2:
0x27: {  	v4 =	vbroadcast v4, $0xF;
	(pc) =	sbr.rel @p0 .LBB2_3-.Ltmp2, $4  }
0x28: {  	_ = 	snop  }
0x29: {  	v4 =	vand.u32 $0x1, v4  }
0x2a: {  	vm15 =	veq.s32 v4, $0x1  }
0x2b: {  	v1 =	vsel vm15, v3, v1;
	v2 =	vsel vm15, v2, v3  }
0x2c: {  	s10 =	sadd.s32 $0x1, s10  }
0x2d: {  	p0 =	sne.s32 s10, s5  }
.Ltmp3:
0x2e: {  	[tilespmem:$0x1000] =	vst v1;
	(pc) =	sbr.rel @p0 .LBB2_2-.Ltmp3, $4  }
0x2f: {  	[hbm4b:s3+s2] =	stream.linear.scatter [tilespmem:s9], [sflag:$0x1], $0x80, $0x38;
	[tilespmem:$0x1080] =	vst v63  }
0x30: {  	_ =	swait.ge [sflag:s8], $0x80  }
0x31: {  	[sflag:s8] =	ssyncset.done $0x0  }
0x32: {  	[sflag:s8] =	ssyncadd.s32 $0xFFFFFF80  }
.LBB2_7:
0x33: {  	_ =	sfence.sel $0x180000  }
0x34: {  	[bflag:$0x0] =	sbarrier.arrive $0xFFFF  }
0x35: {  	p0 =	sne.s32 s1, $0x0;
	_ =	strace $0x90000047  }
0x36: {  	s0 =	sadd.s32 @!p0 $0x100000, s0;
	[bflag:$0x2] =	sbarrier.arrive $0xFFFF  }
0x37: {  	[sflag:s0] =	ssyncadd.tile.s32 @!p0 $0x1;
	_ =	shalt  }
.Lfunc_end2:
_tile_overlayer_lowered:
.L_overlay_start_2:
0x38: {  	(tag) =	ssettag $0x2  }
0x39: {  	s0 =	rddreg [dreg:$0x0];
	s2 =	stileid.u32  }
0x3a: {  	s1 =	rddreg [dreg:$0x1];
	p0 =	sne.s32 s2, $0x0  }
0x3b: {  	s3 =	rddreg [dreg:$0x2];
	[bflag:$0x3] =	sbarrier.arrive $0xFFFF;
	s2 =	simm.s32 @!p0 $0x1C01  }
0x3c: {  	[timem:s3], [sflag:s2] =	dma.local @!p0 [hbm:s0], s1  }
0x3d: {  	s0 =	simm.s32 @!p0 $0x1  }
0x3e: {  	_ =	swait.ge @!p0 [sflag:s0], s1  }
0x3f: {  	s1 =	ssub.s32 @!p0 $0x0, s1;
	[sflag:s0] =	ssyncset.done @!p0 $0x0  }
0x40: {  	[sflag:s0] =	ssyncadd.s32 @!p0 s1  }
0x41: {  	[bflag:$0x3] =	sbarrier.arrive $0xFFFF  }
0x42: {  	_ =	shalt  }

</sc_bundles>
